<compile_context>
chip_gen: v7x
topology: tpu7x:2x2x1
jax: 0.10.2.dev20260603
libtpu: 0.0.44.dev20260713+nightly
codegen_flags: <defaults>
</compile_context>

<pallas_src>
import functools

import jax
import jax.numpy as jnp
import numpy as np
from jax import lax
from jax.experimental import pallas as pl
from jax.experimental.pallas import tpu as pltpu
from jax.experimental.pallas import tpu_sc as plsc

_K = 64
_B = 64
_N = 8192
_L = 16
_SLICES = _N // _L
_B_SC = 32


def _np_threefry2x32(k1, k2, x1, x2):
    def rnds(a, b, rots):
        for r in rots:
            a = (a + b).astype(np.uint32)
            b = ((b << np.uint32(r)) | (b >> np.uint32(32 - r))).astype(np.uint32)
            b = a ^ b
        return a, b

    k1 = np.uint32(k1)
    k2 = np.uint32(k2)
    ks = [k1, k2, np.uint32(k1 ^ k2 ^ np.uint32(0x1BD11BDA))]
    a = (x1 + ks[0]).astype(np.uint32)
    b = (x2 + ks[1]).astype(np.uint32)
    rot0, rot1 = (13, 15, 26, 6), (17, 29, 16, 24)
    for i, (rots, kx, ky) in enumerate(
            [(rot0, 1, 2), (rot1, 2, 0), (rot0, 0, 1), (rot1, 1, 2),
             (rot0, 2, 0)]):
        a, b = rnds(a, b, rots)
        a = (a + ks[kx]).astype(np.uint32)
        b = (b + ks[ky] + np.uint32(i + 1)).astype(np.uint32)
    return a, b


def _uniform_noise() -> np.ndarray:
    n = _B * _N
    iota = np.arange(n, dtype=np.uint64)
    c1 = (iota >> np.uint64(32)).astype(np.uint32)
    c2 = (iota & np.uint64(0xFFFFFFFF)).astype(np.uint32)
    b1, b2 = _np_threefry2x32(0, 42, c1, c2)
    bits = (b1 ^ b2).astype(np.uint32)
    float_bits = (bits >> np.uint32(9)) | np.uint32(0x3F800000)
    floats = float_bits.view(np.float32) - np.float32(1.0)
    mn, mx = np.float32(1e-10), np.float32(1.0)
    u = np.maximum(mn, (floats * (mx - mn) + mn).astype(np.float32))
    return u.reshape(_B, _N)


_U_NOISE = _uniform_noise()


def _encode_kernel(scores_ref, u_ref, out_lo_ref, out_hi_ref):
    u = u_ref[...]
    g = -jnp.log(-jnp.log(u))
    s0 = scores_ref[...] + g
    bits = lax.bitcast_convert_type(s0, jnp.int32)
    ukey = jnp.where(bits < 0, ~bits, bits | jnp.int32(-2147483648))
    out_lo_ref[...] = ukey[:_B_SC]
    out_hi_ref[...] = ukey[_B_SC:]


def _search_kernel(ukey_ref, out_ref):
    ikey = ukey_ref[...] ^ jnp.int32(-2147483648)

    def body(b, t):
        cand = t + (jnp.int32(1) << (jnp.int32(31) - b))
        cnt = jnp.sum((ikey >= cand).astype(jnp.int32), axis=1, keepdims=True)
        return jnp.where(cnt >= _K, cand, t)

    t0 = jnp.full((ikey.shape[0], 1), jnp.int32(-2147483648))
    t = lax.fori_loop(0, 32, body, t0)
    out_ref[...] = (ikey >= t).astype(jnp.float32)


def _splat(val, dtype=jnp.int32):
    return jnp.full((_L,), val, dtype)


_mesh = plsc.VectorSubcoreMesh(core_axis_name="c", subcore_axis_name="s")


@functools.partial(
    pl.kernel,
    out_type=jax.ShapeDtypeStruct((_B_SC, _N), jnp.float32),
    mesh=_mesh,
    scratch_types=[
        pltpu.VMEM((1, _N), jnp.int32),
        pltpu.VMEM((1, _N), jnp.float32),
        pltpu.VMEM((256,), jnp.int32),
        pltpu.SemaphoreType.DMA,
        pltpu.SemaphoreType.DMA,
    ],
    compiler_params=pltpu.CompilerParams(needs_layout_passes=False))
def _sc_topk(ukey_hbm, out_hbm, row_b, out_b, hist_v, semi, semo):
    wid = lax.axis_index("s") * 2 + lax.axis_index("c")
    ones_i = jnp.ones((_L,), jnp.int32)
    zeros_i = jnp.zeros((_L,), jnp.int32)
    msb = _splat(-2147483648)

    pltpu.async_copy(ukey_hbm.at[pl.ds(wid, 1)], row_b, semi).wait()
    row_v = row_b.at[0]
    out_v = out_b.at[0]

    rank = _splat(_K)
    prefix = zeros_i
    for p in range(4):
        sh = _splat(24 - 8 * p)
        psh = _splat(32 - 8 * p)

        for i in range(16):
            hist_v[pl.ds(i * _L, _L)] = zeros_i

        @plsc.parallel_loop(0, _SLICES, unroll=8)
        def _hist(i, p=p, sh=sh, psh=psh, prefix=prefix):
            v = row_v[pl.ds(i * _L, _L)]
            idx = lax.shift_right_logical(v, sh) & _splat(0xFF)
            if p == 0:
                plsc.addupdate_scatter(hist_v, [idx], ones_i)
            else:
                m = lax.shift_right_logical(v, psh) == prefix
                plsc.addupdate_scatter(hist_v, [idx], ones_i, mask=m)

        def fbody(i, carry, rank=rank):
            total, found, bucket, above = carry
            s = 15 - i
            h = hist_v[pl.ds(s * _L, _L)]
            revh = lax.rev(h, (0,))
            csum = plsc.cumsum(revh) + total
            m = csum >= rank
            anyc = plsc.all_reduce_population_count(m)
            pos = plsc.all_reduce_ffs(m)
            bkt = _splat(15) - pos + s * _L
            newf = jnp.logical_and(anyc > 0, found == 0)
            abv = jnp.maximum(jnp.max(jnp.where(m, zeros_i, csum)), total)
            bucket = jnp.where(newf, bkt, bucket)
            above = jnp.where(newf, abv, above)
            found = jnp.where(anyc > 0, ones_i, found)
            total = total + jnp.sum(h)
            return (total, found, bucket, above)

        _, _, bucket, above = lax.fori_loop(
            0, 16, fbody, (zeros_i, zeros_i, zeros_i, zeros_i))

        rank = rank - above
        prefix = jnp.left_shift(prefix, _splat(8)) + bucket

    tsig = prefix ^ msb
    one_f = jnp.ones((_L,), jnp.float32)
    zero_f = jnp.zeros((_L,), jnp.float32)

    @plsc.parallel_loop(0, _SLICES, unroll=8)
    def _khot(i, tsig=tsig):
        v = row_v[pl.ds(i * _L, _L)]
        out_v[pl.ds(i * _L, _L)] = jnp.where((v ^ msb) >= tsig, one_f, zero_f)

    pltpu.async_copy(out_b, out_hbm.at[pl.ds(wid, 1)], semo).wait()


def kernel(scores):
    u = jnp.asarray(_U_NOISE)
    ukey_lo, ukey_hi = pl.pallas_call(
        _encode_kernel,
        out_shape=[jax.ShapeDtypeStruct((_B_SC, _N), jnp.int32),
                   jax.ShapeDtypeStruct((_B - _B_SC, _N), jnp.int32)],
    )(scores, u)
    khot_lo = _sc_topk(ukey_lo)
    khot_hi = pl.pallas_call(
        _search_kernel,
        out_shape=jax.ShapeDtypeStruct((_B - _B_SC, _N), jnp.float32),
    )(ukey_hi)
    return jnp.concatenate([khot_lo, khot_hi], axis=0)

# --- scband reference (transcript-rebuilt; emitter-appended) ---
"""Pipeline reference for scband-straight-through-subset-sampler-70875550319400 (READ-ONLY COPY).

The authoritative reference and input builder live on the scoring server;
editing this copy changes nothing except your own understanding.
"""

import jax, jax.numpy as jnp
import numpy as np

K = 64
TAU = 0.5
EPS = 1e-7  # stand-in for tsl.epsilon


def k_hot_topk(scores, k):
    _, ind = jax.lax.top_k(scores, k)
    b = jnp.arange(scores.shape[0])[:, None]
    khot = jnp.zeros_like(scores).at[b, ind].set(1.0)
    return khot


def relaxed_gumbel_top_k(scores, k, tau, key):
    u = jax.random.uniform(key, scores.shape, dtype=scores.dtype, minval=1e-10, maxval=1.0)
    g = -jnp.log(-jnp.log(u))
    s = scores + g
    relaxed_khot = jnp.zeros_like(scores)
    onehot_approx = jnp.zeros_like(scores)
    for _ in range(k):
        khot_mask = jnp.clip(1.0 - onehot_approx, EPS, None)
        s = s + jnp.log(khot_mask)
        onehot_approx = jax.nn.softmax(s / tau, axis=-1)
        relaxed_khot = relaxed_khot + onehot_approx
    return relaxed_khot


def setup_inputs(seed: int = 0) -> dict:
    key = jax.random.key(seed)
    scores = jax.random.normal(key, (64, 8192), dtype=jnp.float32)
    return {"scores": scores}


def reference(scores):
    # training-mode straight-through path (module default: self.training=True)
    gkey = jax.random.key(42)
    sample = relaxed_gumbel_top_k(scores, K, TAU, gkey)
    khot = k_hot_topk(sample, K)
    return jax.lax.stop_gradient(khot - sample) + sample

if __name__ == "__main__":
    import jax
    _d = setup_inputs()
    print(jax.jit(kernel)(*tuple(_d.values())))

</pallas_src>

<mosaic_0001>
#map = affine_map<(d0, d1) -> (0, 0)>
module attributes {stable_mosaic.version = 14 : i64} {
  func.func @_sc_topk(%arg0: i32, %arg1: i32, %arg2: memref<32x8192xi32, #tpu.memory_space<hbm>>, %arg3: memref<32x8192xf32, #tpu.memory_space<hbm>>, %arg4: memref<1x8192xi32, #tpu.memory_space<vmem>>, %arg5: memref<1x8192xf32, #tpu.memory_space<vmem>>, %arg6: memref<256xi32, #tpu.memory_space<vmem>>, %arg7: memref<!tpu.dma_semaphore, #tpu.memory_space<semaphore_mem>>, %arg8: memref<!tpu.dma_semaphore, #tpu.memory_space<semaphore_mem>>) attributes {dimension_semantics = [#tpu.dimension_semantics<core_parallel>, #tpu.dimension_semantics<subcore_parallel>], iteration_bounds = array<i64: 2, 16>, scalar_prefetch = 0 : i64, scratch_operands = 5 : i64, tpu.core_type = #tpu.core_type<sc_vector_subcore>, window_params = [{transform_indices = #map}, {transform_indices = #map}]} {
    %mul3A = arith.constant 2 : i32
    %mul3A_0 = arith.muli %arg1, %mul3A : i32
    %add3A = arith.addi %mul3A_0, %arg0 : i32
    %broadcast_in_dim3A = arith.constant 1 : i32
    %broadcast_in_dim3A_1 = vector.broadcast %broadcast_in_dim3A : i32 to vector<16xi32>
    %broadcast_in_dim3A_2 = arith.constant 0 : i32
    %broadcast_in_dim3A_3 = vector.broadcast %broadcast_in_dim3A_2 : i32 to vector<16xi32>
    %broadcast_in_dim3A_4 = arith.constant -2147483648 : i32
    %broadcast_in_dim3A_5 = vector.broadcast %broadcast_in_dim3A_4 : i32 to vector<16xi32>
    %dma_start3A = arith.constant 0 : i32
    %dma_start3A_6 = tpu.memref_slice %arg2[%add3A, %dma_start3A] : memref<32x8192xi32, #tpu.memory_space<hbm>> -> memref<1x8192xi32, #tpu.memory_space<hbm>>
    %dma_start3A_7 = arith.constant 0 : i32
    %dma_start3A_8 = tpu.memref_slice %arg2[%add3A, %dma_start3A_7] : memref<32x8192xi32, #tpu.memory_space<hbm>> -> memref<1x8192xi32, #tpu.memory_space<hbm>>
    tpu.enqueue_dma source(%dma_start3A_8 : memref<1x8192xi32, #tpu.memory_space<hbm>>) target(%arg4 : memref<1x8192xi32, #tpu.memory_space<vmem>>) target_semaphore(%arg7 : memref<!tpu.dma_semaphore, #tpu.memory_space<semaphore_mem>>)
    %dma_wait3A = arith.constant 0 : i32
    %dma_wait3A_9 = tpu.memref_slice %arg2[%add3A, %dma_wait3A] : memref<32x8192xi32, #tpu.memory_space<hbm>> -> memref<1x8192xi32, #tpu.memory_space<hbm>>
    %dma_wait3A_10 = arith.constant 0 : i32
    %dma_wait3A_11 = tpu.memref_slice %arg2[%add3A, %dma_wait3A_10] : memref<32x8192xi32, #tpu.memory_space<hbm>> -> memref<1x8192xi32, #tpu.memory_space<hbm>>
    tpu.wait_dma2 semaphore(%arg7 : memref<!tpu.dma_semaphore, #tpu.memory_space<semaphore_mem>>) src(%dma_wait3A_11 : memref<1x8192xi32, #tpu.memory_space<hbm>>) dst(%arg4 : memref<1x8192xi32, #tpu.memory_space<vmem>>)
    %broadcast_in_dim3A_12 = arith.constant 64 : i32
    %broadcast_in_dim3A_13 = vector.broadcast %broadcast_in_dim3A_12 : i32 to vector<16xi32>
    %broadcast_in_dim3A_14 = arith.constant 24 : i32
    %broadcast_in_dim3A_15 = vector.broadcast %broadcast_in_dim3A_14 : i32 to vector<16xi32>
    %broadcast_in_dim3A_16 = arith.constant 32 : i32
    %broadcast_in_dim3A_17 = vector.broadcast %broadcast_in_dim3A_16 : i32 to vector<16xi32>
    %swap3A = arith.constant 0 : index
    %swap3A_18 = tpu.vector_load %arg6[%swap3A] {strides = array<i32>} : memref<256xi32, #tpu.memory_space<vmem>>, vector<16xi32>,
    tpu.vector_store %arg6[%swap3A], %broadcast_in_dim3A_3 {strides = array<i32>} : memref<256xi32, #tpu.memory_space<vmem>>, vector<16xi32>,
    %swap3A_19 = arith.constant 16 : index
    %swap3A_20 = tpu.vector_load %arg6[%swap3A_19] {strides = array<i32>} : memref<256xi32, #tpu.memory_space<vmem>>, vector<16xi32>,
    tpu.vector_store %arg6[%swap3A_19], %broadcast_in_dim3A_3 {strides = array<i32>} : memref<256xi32, #tpu.memory_space<vmem>>, vector<16xi32>,
    %swap3A_21 = arith.constant 32 : index
    %swap3A_22 = tpu.vector_load %arg6[%swap3A_21] {strides = array<i32>} : memref<256xi32, #tpu.memory_space<vmem>>, vector<16xi32>,
    tpu.vector_store %arg6[%swap3A_21], %broadcast_in_dim3A_3 {strides = array<i32>} : memref<256xi32, #tpu.memory_space<vmem>>, vector<16xi32>,
    %swap3A_23 = arith.constant 48 : index
    %swap3A_24 = tpu.vector_load %arg6[%swap3A_23] {strides = array<i32>} : memref<256xi32, #tpu.memory_space<vmem>>, vector<16xi32>,
    tpu.vector_store %arg6[%swap3A_23], %broadcast_in_dim3A_3 {strides = array<i32>} : memref<256xi32, #tpu.memory_space<vmem>>, vector<16xi32>,
    %swap3A_25 = arith.constant 64 : index
    %swap3A_26 = tpu.vector_load %arg6[%swap3A_25] {strides = array<i32>} : memref<256xi32, #tpu.memory_space<vmem>>, vector<16xi32>,
    tpu.vector_store %arg6[%swap3A_25], %broadcast_in_dim3A_3 {strides = array<i32>} : memref<256xi32, #tpu.memory_space<vmem>>, vector<16xi32>,
    %swap3A_27 = arith.constant 80 : index
    %swap3A_28 = tpu.vector_load %arg6[%swap3A_27] {strides = array<i32>} : memref<256xi32, #tpu.memory_space<vmem>>, vector<16xi32>,
    tpu.vector_store %arg6[%swap3A_27], %broadcast_in_dim3A_3 {strides = array<i32>} : memref<256xi32, #tpu.memory_space<vmem>>, vector<16xi32>,
    %swap3A_29 = arith.constant 96 : index
    %swap3A_30 = tpu.vector_load %arg6[%swap3A_29] {strides = array<i32>} : memref<256xi32, #tpu.memory_space<vmem>>, vector<16xi32>,
    tpu.vector_store %arg6[%swap3A_29], %broadcast_in_dim3A_3 {strides = array<i32>} : memref<256xi32, #tpu.memory_space<vmem>>, vector<16xi32>,
    %swap3A_31 = arith.constant 112 : index
    %swap3A_32 = tpu.vector_load %arg6[%swap3A_31] {strides = array<i32>} : memref<256xi32, #tpu.memory_space<vmem>>, vector<16xi32>,
    tpu.vector_store %arg6[%swap3A_31], %broadcast_in_dim3A_3 {strides = array<i32>} : memref<256xi32, #tpu.memory_space<vmem>>, vector<16xi32>,
    %swap3A_33 = arith.constant 128 : index
    %swap3A_34 = tpu.vector_load %arg6[%swap3A_33] {strides = array<i32>} : memref<256xi32, #tpu.memory_space<vmem>>, vector<16xi32>,
    tpu.vector_store %arg6[%swap3A_33], %broadcast_in_dim3A_3 {strides = array<i32>} : memref<256xi32, #tpu.memory_space<vmem>>, vector<16xi32>,
    %swap3A_35 = arith.constant 144 : index
    %swap3A_36 = tpu.vector_load %arg6[%swap3A_35] {strides = array<i32>} : memref<256xi32, #tpu.memory_space<vmem>>, vector<16xi32>,
    tpu.vector_store %arg6[%swap3A_35], %broadcast_in_dim3A_3 {strides = array<i32>} : memref<256xi32, #tpu.memory_space<vmem>>, vector<16xi32>,
    %swap3A_37 = arith.constant 160 : index
    %swap3A_38 = tpu.vector_load %arg6[%swap3A_37] {strides = array<i32>} : memref<256xi32, #tpu.memory_space<vmem>>, vector<16xi32>,
    tpu.vector_store %arg6[%swap3A_37], %broadcast_in_dim3A_3 {strides = array<i32>} : memref<256xi32, #tpu.memory_space<vmem>>, vector<16xi32>,
    %swap3A_39 = arith.constant 176 : index
    %swap3A_40 = tpu.vector_load %arg6[%swap3A_39] {strides = array<i32>} : memref<256xi32, #tpu.memory_space<vmem>>, vector<16xi32>,
    tpu.vector_store %arg6[%swap3A_39], %broadcast_in_dim3A_3 {strides = array<i32>} : memref<256xi32, #tpu.memory_space<vmem>>, vector<16xi32>,
    %swap3A_41 = arith.constant 192 : index
    %swap3A_42 = tpu.vector_load %arg6[%swap3A_41] {strides = array<i32>} : memref<256xi32, #tpu.memory_space<vmem>>, vector<16xi32>,
    tpu.vector_store %arg6[%swap3A_41], %broadcast_in_dim3A_3 {strides = array<i32>} : memref<256xi32, #tpu.memory_space<vmem>>, vector<16xi32>,
    %swap3A_43 = arith.constant 208 : index
    %swap3A_44 = tpu.vector_load %arg6[%swap3A_43] {strides = array<i32>} : memref<256xi32, #tpu.memory_space<vmem>>, vector<16xi32>,
    tpu.vector_store %arg6[%swap3A_43], %broadcast_in_dim3A_3 {strides = array<i32>} : memref<256xi32, #tpu.memory_space<vmem>>, vector<16xi32>,
    %swap3A_45 = arith.constant 224 : index
    %swap3A_46 = tpu.vector_load %arg6[%swap3A_45] {strides = array<i32>} : memref<256xi32, #tpu.memory_space<vmem>>, vector<16xi32>,
    tpu.vector_store %arg6[%swap3A_45], %broadcast_in_dim3A_3 {strides = array<i32>} : memref<256xi32, #tpu.memory_space<vmem>>, vector<16xi32>,
    %swap3A_47 = arith.constant 240 : index
    %swap3A_48 = tpu.vector_load %arg6[%swap3A_47] {strides = array<i32>} : memref<256xi32, #tpu.memory_space<vmem>>, vector<16xi32>,
    tpu.vector_store %arg6[%swap3A_47], %broadcast_in_dim3A_3 {strides = array<i32>} : memref<256xi32, #tpu.memory_space<vmem>>, vector<16xi32>,
    %parallel_loop3A = arith.constant 0 : i32
    %parallel_loop3A_49 = arith.constant 512 : i32
    %parallel_loop3A_50 = arith.constant 1 : i32
    %parallel_loop3A_51 = arith.constant 0 : i32
    scf.for %parallel_loop3A_230 = %parallel_loop3A to %parallel_loop3A_49 step %parallel_loop3A_50  : i32 {
      %parallel_loop3A_231 = arith.constant 16 : i32
      %parallel_loop3A_232 = arith.muli %parallel_loop3A_230, %parallel_loop3A_231 : i32
      %parallel_loop3A_233 = arith.constant 0 : i32
      %parallel_loop3A_234 = tpu.memref_slice %arg4[%parallel_loop3A_51, %parallel_loop3A_233] : memref<1x8192xi32, #tpu.memory_space<vmem>> -> memref<1x8192xi32, #tpu.memory_space<vmem>>
      %parallel_loop3A_235 = tpu.memref_squeeze %parallel_loop3A_234 : memref<1x8192xi32, #tpu.memory_space<vmem>> -> memref<8192xi32, #tpu.memory_space<vmem>>
      %parallel_loop3A_236 = arith.index_cast %parallel_loop3A_232 : i32 to index
      %parallel_loop3A_237 = tpu.vector_load %parallel_loop3A_235[%parallel_loop3A_236] {strides = array<i32>} : memref<8192xi32, #tpu.memory_space<vmem>>, vector<16xi32>,
      %parallel_loop3A_238 = arith.shrui %parallel_loop3A_237, %broadcast_in_dim3A_15 : vector<16xi32>
      %parallel_loop3A_239 = arith.constant 255 : i32
      %parallel_loop3A_240 = vector.broadcast %parallel_loop3A_239 : i32 to vector<16xi32>
      %parallel_loop3A_241 = arith.andi %parallel_loop3A_238, %parallel_loop3A_240 : vector<16xi32>
      tpu.vector_store_idx %arg6[%parallel_loop3A_241], %broadcast_in_dim3A_1 {add = true} : memref<256xi32, #tpu.memory_space<vmem>>[vector<16xi32>], vector<16xi32>,
    } {sc.loop_unroll_factor = 8 : i64, sc.parallel_access}
    %scan3A = arith.constant 0 : i32
    %scan3A_52 = arith.constant 16 : i32
    %scan3A_53 = arith.addi %scan3A, %scan3A_52 : i32
    %scan3A_54 = arith.constant 1 : i32
    %scan3A_55:4 = scf.for %scan3A_230 = %scan3A to %scan3A_53 step %scan3A_54 iter_args(%scan3A_231 = %broadcast_in_dim3A_3, %scan3A_232 = %broadcast_in_dim3A_3, %scan3A_233 = %broadcast_in_dim3A_3, %scan3A_234 = %broadcast_in_dim3A_3) -> (vector<16xi32>, vector<16xi32>, vector<16xi32>, vector<16xi32>)  : i32 {
      %sub3A_235 = arith.constant 15 : i32
      %sub3A_236 = arith.subi %sub3A_235, %scan3A_230 : i32
      %mul3A_237 = arith.constant 16 : i32
      %mul3A_238 = arith.muli %sub3A_236, %mul3A_237 : i32
      %get3A = arith.index_cast %mul3A_238 : i32 to index
      %get3A_239 = tpu.vector_load %arg6[%get3A] {strides = array<i32>} : memref<256xi32, #tpu.memory_space<vmem>>, vector<16xi32>,
      %rev3A = arith.constant 15 : i32
      %rev3A_240 = vector.broadcast %rev3A : i32 to vector<16xi32>
      %rev3A_241 = tpu.iota {dimensions = array<i32: 0>} : vector<16xi32>
      %rev3A_242 = arith.subi %rev3A_240, %rev3A_241 : vector<16xi32>
      %rev3A_243 = tpu.dynamic_gather %get3A_239[%rev3A_242] in [0] : vector<16xi32>, vector<16xi32> -> vector<16xi32>
      %broadcast_in_dim3A_244 = arith.constant true
      %broadcast_in_dim3A_245 = vector.broadcast %broadcast_in_dim3A_244 : i1 to vector<16xi1>
      %masked_cumsum3A = tpu.scan <sum>, %rev3A_243 masked %broadcast_in_dim3A_245 : vector<16xi32>, vector<16xi1> -> vector<16xi32>
      %add3A_246 = arith.addi %masked_cumsum3A, %scan3A_231 : vector<16xi32>
      %ge3A = arith.cmpi sge, %add3A_246, %broadcast_in_dim3A_13 : vector<16xi32>
      %all_reduce_population_count3A = tpu.all_reduce %ge3A {dim = 0 : i64, kind = #tpu.reduction_kind<sum>} : vector<16xi1> -> vector<16xi32>
      %all_reduce_ffs3A = tpu.all_reduce %ge3A {dim = 0 : i64, kind = #tpu.reduction_kind<find_first_set>} : vector<16xi1> -> vector<16xi32>
      %broadcast_in_dim3A_247 = arith.constant 15 : i32
      %broadcast_in_dim3A_248 = vector.broadcast %broadcast_in_dim3A_247 : i32 to vector<16xi32>
      %sub3A_249 = arith.subi %broadcast_in_dim3A_248, %all_reduce_ffs3A : vector<16xi32>
      %mul3A_250 = arith.constant 16 : i32
      %mul3A_251 = arith.muli %sub3A_236, %mul3A_250 : i32
      %add3A_252 = vector.broadcast %mul3A_251 : i32 to vector<16xi32>
      %add3A_253 = arith.addi %sub3A_249, %add3A_252 : vector<16xi32>
      %gt3A = arith.constant 0 : i32
      %gt3A_254 = vector.broadcast %gt3A : i32 to vector<16xi32>
      %gt3A_255 = arith.cmpi sgt, %all_reduce_population_count3A, %gt3A_254 : vector<16xi32>
      %eq3A = arith.constant 0 : i32
      %eq3A_256 = vector.broadcast %eq3A : i32 to vector<16xi32>
      %eq3A_257 = arith.cmpi eq, %scan3A_232, %eq3A_256 : vector<16xi32>
      %and3A = arith.andi %gt3A_255, %eq3A_257 : vector<16xi1>
      %select_n3A = arith.select %ge3A, %broadcast_in_dim3A_3, %add3A_246 : vector<16xi1>, vector<16xi32>
      %reduce_max3A = arith.constant true
      %reduce_max3A_258 = vector.broadcast %reduce_max3A : i1 to vector<16xi1>
      %reduce_max3A_259 = arith.constant -2147483648 : i32
      %reduce_max3A_260 = vector.broadcast %reduce_max3A_259 : i32 to vector<16xi32>
      %reduce_max3A_261 = arith.xori %select_n3A, %reduce_max3A_260 : vector<16xi32>
      %reduce_max3A_262 = tpu.scan <max>, %reduce_max3A_261 masked %reduce_max3A_258 : vector<16xi32>, vector<16xi1> -> vector<16xi32>
      %reduce_max3A_263 = arith.xori %reduce_max3A_262, %reduce_max3A_260 : vector<16xi32>
      %reduce_max3A_264 = vector.extract %reduce_max3A_263[15] : i32 from vector<16xi32>
      %max3A = vector.broadcast %reduce_max3A_264 : i32 to vector<16xi32>
      %max3A_265 = arith.maxsi %max3A, %scan3A_231 : vector<16xi32>
      %select_n3A_266 = arith.select %and3A, %add3A_253, %scan3A_233 : vector<16xi1>, vector<16xi32>
      %select_n3A_267 = arith.select %and3A, %max3A_265, %scan3A_234 : vector<16xi1>, vector<16xi32>
      %gt3A_268 = arith.constant 0 : i32
      %gt3A_269 = vector.broadcast %gt3A_268 : i32 to vector<16xi32>
      %gt3A_270 = arith.cmpi sgt, %all_reduce_population_count3A, %gt3A_269 : vector<16xi32>
      %select_n3A_271 = arith.select %gt3A_270, %broadcast_in_dim3A_1, %scan3A_232 : vector<16xi1>, vector<16xi32>
      %reduce_sum3A = arith.constant true
      %reduce_sum3A_272 = vector.broadcast %reduce_sum3A : i1 to vector<16xi1>
      %reduce_sum3A_273 = tpu.scan <sum>, %get3A_239 masked %reduce_sum3A_272 : vector<16xi32>, vector<16xi1> -> vector<16xi32>
      %reduce_sum3A_274 = vector.extract %reduce_sum3A_273[15] : i32 from vector<16xi32>
      %add3A_275 = vector.broadcast %reduce_sum3A_274 : i32 to vector<16xi32>
      %add3A_276 = arith.addi %scan3A_231, %add3A_275 : vector<16xi32>
      scf.yield %add3A_276, %select_n3A_271, %select_n3A_266, %select_n3A_267 : vector<16xi32>, vector<16xi32>, vector<16xi32>, vector<16xi32>
    }
    %scan3A_56 = arith.constant 16 : i32
    %sub3A = arith.subi %broadcast_in_dim3A_13, %scan3A_55#3 : vector<16xi32>
    %broadcast_in_dim3A_57 = arith.constant 8 : i32
    %broadcast_in_dim3A_58 = vector.broadcast %broadcast_in_dim3A_57 : i32 to vector<16xi32>
    %shift_left3A = arith.shli %broadcast_in_dim3A_3, %broadcast_in_dim3A_58 : vector<16xi32>
    %add3A_59 = arith.addi %shift_left3A, %scan3A_55#2 : vector<16xi32>
    %broadcast_in_dim3A_60 = arith.constant 16 : i32
    %broadcast_in_dim3A_61 = vector.broadcast %broadcast_in_dim3A_60 : i32 to vector<16xi32>
    %broadcast_in_dim3A_62 = arith.constant 24 : i32
    %broadcast_in_dim3A_63 = vector.broadcast %broadcast_in_dim3A_62 : i32 to vector<16xi32>
    %swap3A_64 = arith.constant 0 : index
    %swap3A_65 = tpu.vector_load %arg6[%swap3A_64] {strides = array<i32>} : memref<256xi32, #tpu.memory_space<vmem>>, vector<16xi32>,
    tpu.vector_store %arg6[%swap3A_64], %broadcast_in_dim3A_3 {strides = array<i32>} : memref<256xi32, #tpu.memory_space<vmem>>, vector<16xi32>,
    %swap3A_66 = arith.constant 16 : index
    %swap3A_67 = tpu.vector_load %arg6[%swap3A_66] {strides = array<i32>} : memref<256xi32, #tpu.memory_space<vmem>>, vector<16xi32>,
    tpu.vector_store %arg6[%swap3A_66], %broadcast_in_dim3A_3 {strides = array<i32>} : memref<256xi32, #tpu.memory_space<vmem>>, vector<16xi32>,
    %swap3A_68 = arith.constant 32 : index
    %swap3A_69 = tpu.vector_load %arg6[%swap3A_68] {strides = array<i32>} : memref<256xi32, #tpu.memory_space<vmem>>, vector<16xi32>,
    tpu.vector_store %arg6[%swap3A_68], %broadcast_in_dim3A_3 {strides = array<i32>} : memref<256xi32, #tpu.memory_space<vmem>>, vector<16xi32>,
    %swap3A_70 = arith.constant 48 : index
    %swap3A_71 = tpu.vector_load %arg6[%swap3A_70] {strides = array<i32>} : memref<256xi32, #tpu.memory_space<vmem>>, vector<16xi32>,
    tpu.vector_store %arg6[%swap3A_70], %broadcast_in_dim3A_3 {strides = array<i32>} : memref<256xi32, #tpu.memory_space<vmem>>, vector<16xi32>,
    %swap3A_72 = arith.constant 64 : index
    %swap3A_73 = tpu.vector_load %arg6[%swap3A_72] {strides = array<i32>} : memref<256xi32, #tpu.memory_space<vmem>>, vector<16xi32>,
    tpu.vector_store %arg6[%swap3A_72], %broadcast_in_dim3A_3 {strides = array<i32>} : memref<256xi32, #tpu.memory_space<vmem>>, vector<16xi32>,
    %swap3A_74 = arith.constant 80 : index
    %swap3A_75 = tpu.vector_load %arg6[%swap3A_74] {strides = array<i32>} : memref<256xi32, #tpu.memory_space<vmem>>, vector<16xi32>,
    tpu.vector_store %arg6[%swap3A_74], %broadcast_in_dim3A_3 {strides = array<i32>} : memref<256xi32, #tpu.memory_space<vmem>>, vector<16xi32>,
    %swap3A_76 = arith.constant 96 : index
    %swap3A_77 = tpu.vector_load %arg6[%swap3A_76] {strides = array<i32>} : memref<256xi32, #tpu.memory_space<vmem>>, vector<16xi32>,
    tpu.vector_store %arg6[%swap3A_76], %broadcast_in_dim3A_3 {strides = array<i32>} : memref<256xi32, #tpu.memory_space<vmem>>, vector<16xi32>,
    %swap3A_78 = arith.constant 112 : index
    %swap3A_79 = tpu.vector_load %arg6[%swap3A_78] {strides = array<i32>} : memref<256xi32, #tpu.memory_space<vmem>>, vector<16xi32>,
    tpu.vector_store %arg6[%swap3A_78], %broadcast_in_dim3A_3 {strides = array<i32>} : memref<256xi32, #tpu.memory_space<vmem>>, vector<16xi32>,
    %swap3A_80 = arith.constant 128 : index
    %swap3A_81 = tpu.vector_load %arg6[%swap3A_80] {strides = array<i32>} : memref<256xi32, #tpu.memory_space<vmem>>, vector<16xi32>,
    tpu.vector_store %arg6[%swap3A_80], %broadcast_in_dim3A_3 {strides = array<i32>} : memref<256xi32, #tpu.memory_space<vmem>>, vector<16xi32>,
    %swap3A_82 = arith.constant 144 : index
    %swap3A_83 = tpu.vector_load %arg6[%swap3A_82] {strides = array<i32>} : memref<256xi32, #tpu.memory_space<vmem>>, vector<16xi32>,
    tpu.vector_store %arg6[%swap3A_82], %broadcast_in_dim3A_3 {strides = array<i32>} : memref<256xi32, #tpu.memory_space<vmem>>, vector<16xi32>,
    %swap3A_84 = arith.constant 160 : index
    %swap3A_85 = tpu.vector_load %arg6[%swap3A_84] {strides = array<i32>} : memref<256xi32, #tpu.memory_space<vmem>>, vector<16xi32>,
    tpu.vector_store %arg6[%swap3A_84], %broadcast_in_dim3A_3 {strides = array<i32>} : memref<256xi32, #tpu.memory_space<vmem>>, vector<16xi32>,
    %swap3A_86 = arith.constant 176 : index
    %swap3A_87 = tpu.vector_load %arg6[%swap3A_86] {strides = array<i32>} : memref<256xi32, #tpu.memory_space<vmem>>, vector<16xi32>,
    tpu.vector_store %arg6[%swap3A_86], %broadcast_in_dim3A_3 {strides = array<i32>} : memref<256xi32, #tpu.memory_space<vmem>>, vector<16xi32>,
    %swap3A_88 = arith.constant 192 : index
    %swap3A_89 = tpu.vector_load %arg6[%swap3A_88] {strides = array<i32>} : memref<256xi32, #tpu.memory_space<vmem>>, vector<16xi32>,
    tpu.vector_store %arg6[%swap3A_88], %broadcast_in_dim3A_3 {strides = array<i32>} : memref<256xi32, #tpu.memory_space<vmem>>, vector<16xi32>,
    %swap3A_90 = arith.constant 208 : index
    %swap3A_91 = tpu.vector_load %arg6[%swap3A_90] {strides = array<i32>} : memref<256xi32, #tpu.memory_space<vmem>>, vector<16xi32>,
    tpu.vector_store %arg6[%swap3A_90], %broadcast_in_dim3A_3 {strides = array<i32>} : memref<256xi32, #tpu.memory_space<vmem>>, vector<16xi32>,
    %swap3A_92 = arith.constant 224 : index
    %swap3A_93 = tpu.vector_load %arg6[%swap3A_92] {strides = array<i32>} : memref<256xi32, #tpu.memory_space<vmem>>, vector<16xi32>,
    tpu.vector_store %arg6[%swap3A_92], %broadcast_in_dim3A_3 {strides = array<i32>} : memref<256xi32, #tpu.memory_space<vmem>>, vector<16xi32>,
    %swap3A_94 = arith.constant 240 : index
    %swap3A_95 = tpu.vector_load %arg6[%swap3A_94] {strides = array<i32>} : memref<256xi32, #tpu.memory_space<vmem>>, vector<16xi32>,
    tpu.vector_store %arg6[%swap3A_94], %broadcast_in_dim3A_3 {strides = array<i32>} : memref<256xi32, #tpu.memory_space<vmem>>, vector<16xi32>,
    %parallel_loop3A_96 = arith.constant 0 : i32
    %parallel_loop3A_97 = arith.constant 512 : i32
    %parallel_loop3A_98 = arith.constant 1 : i32
    %parallel_loop3A_99 = arith.constant 0 : i32
    scf.for %parallel_loop3A_230 = %parallel_loop3A_96 to %parallel_loop3A_97 step %parallel_loop3A_98  : i32 {
      %parallel_loop3A_231 = arith.constant 16 : i32
      %parallel_loop3A_232 = arith.muli %parallel_loop3A_230, %parallel_loop3A_231 : i32
      %parallel_loop3A_233 = arith.constant 0 : i32
      %parallel_loop3A_234 = tpu.memref_slice %arg4[%parallel_loop3A_99, %parallel_loop3A_233] : memref<1x8192xi32, #tpu.memory_space<vmem>> -> memref<1x8192xi32, #tpu.memory_space<vmem>>
      %parallel_loop3A_235 = tpu.memref_squeeze %parallel_loop3A_234 : memref<1x8192xi32, #tpu.memory_space<vmem>> -> memref<8192xi32, #tpu.memory_space<vmem>>
      %parallel_loop3A_236 = arith.index_cast %parallel_loop3A_232 : i32 to index
      %parallel_loop3A_237 = tpu.vector_load %parallel_loop3A_235[%parallel_loop3A_236] {strides = array<i32>} : memref<8192xi32, #tpu.memory_space<vmem>>, vector<16xi32>,
      %parallel_loop3A_238 = arith.shrui %parallel_loop3A_237, %broadcast_in_dim3A_61 : vector<16xi32>
      %parallel_loop3A_239 = arith.constant 255 : i32
      %parallel_loop3A_240 = vector.broadcast %parallel_loop3A_239 : i32 to vector<16xi32>
      %parallel_loop3A_241 = arith.andi %parallel_loop3A_238, %parallel_loop3A_240 : vector<16xi32>
      %parallel_loop3A_242 = arith.shrui %parallel_loop3A_237, %broadcast_in_dim3A_63 : vector<16xi32>
      %parallel_loop3A_243 = arith.cmpi eq, %parallel_loop3A_242, %add3A_59 : vector<16xi32>
      tpu.vector_store_idx %arg6[%parallel_loop3A_241], %broadcast_in_dim3A_1 masked %parallel_loop3A_243 {add = true} : memref<256xi32, #tpu.memory_space<vmem>>[vector<16xi32>], vector<16xi32>, vector<16xi1>
    } {sc.loop_unroll_factor = 8 : i64, sc.parallel_access}
    %scan3A_100 = arith.constant 0 : i32
    %scan3A_101 = arith.constant 16 : i32
    %scan3A_102 = arith.addi %scan3A_100, %scan3A_101 : i32
    %scan3A_103 = arith.constant 1 : i32
    %scan3A_104:4 = scf.for %scan3A_230 = %scan3A_100 to %scan3A_102 step %scan3A_103 iter_args(%scan3A_231 = %broadcast_in_dim3A_3, %scan3A_232 = %broadcast_in_dim3A_3, %scan3A_233 = %broadcast_in_dim3A_3, %scan3A_234 = %broadcast_in_dim3A_3) -> (vector<16xi32>, vector<16xi32>, vector<16xi32>, vector<16xi32>)  : i32 {
      %sub3A_235 = arith.constant 15 : i32
      %sub3A_236 = arith.subi %sub3A_235, %scan3A_230 : i32
      %mul3A_237 = arith.constant 16 : i32
      %mul3A_238 = arith.muli %sub3A_236, %mul3A_237 : i32
      %get3A = arith.index_cast %mul3A_238 : i32 to index
      %get3A_239 = tpu.vector_load %arg6[%get3A] {strides = array<i32>} : memref<256xi32, #tpu.memory_space<vmem>>, vector<16xi32>,
      %rev3A = arith.constant 15 : i32
      %rev3A_240 = vector.broadcast %rev3A : i32 to vector<16xi32>
      %rev3A_241 = tpu.iota {dimensions = array<i32: 0>} : vector<16xi32>
      %rev3A_242 = arith.subi %rev3A_240, %rev3A_241 : vector<16xi32>
      %rev3A_243 = tpu.dynamic_gather %get3A_239[%rev3A_242] in [0] : vector<16xi32>, vector<16xi32> -> vector<16xi32>
      %broadcast_in_dim3A_244 = arith.constant true
      %broadcast_in_dim3A_245 = vector.broadcast %broadcast_in_dim3A_244 : i1 to vector<16xi1>
      %masked_cumsum3A = tpu.scan <sum>, %rev3A_243 masked %broadcast_in_dim3A_245 : vector<16xi32>, vector<16xi1> -> vector<16xi32>
      %add3A_246 = arith.addi %masked_cumsum3A, %scan3A_231 : vector<16xi32>
      %ge3A = arith.cmpi sge, %add3A_246, %sub3A : vector<16xi32>
      %all_reduce_population_count3A = tpu.all_reduce %ge3A {dim = 0 : i64, kind = #tpu.reduction_kind<sum>} : vector<16xi1> -> vector<16xi32>
      %all_reduce_ffs3A = tpu.all_reduce %ge3A {dim = 0 : i64, kind = #tpu.reduction_kind<find_first_set>} : vector<16xi1> -> vector<16xi32>
      %broadcast_in_dim3A_247 = arith.constant 15 : i32
      %broadcast_in_dim3A_248 = vector.broadcast %broadcast_in_dim3A_247 : i32 to vector<16xi32>
      %sub3A_249 = arith.subi %broadcast_in_dim3A_248, %all_reduce_ffs3A : vector<16xi32>
      %mul3A_250 = arith.constant 16 : i32
      %mul3A_251 = arith.muli %sub3A_236, %mul3A_250 : i32
      %add3A_252 = vector.broadcast %mul3A_251 : i32 to vector<16xi32>
      %add3A_253 = arith.addi %sub3A_249, %add3A_252 : vector<16xi32>
      %gt3A = arith.constant 0 : i32
      %gt3A_254 = vector.broadcast %gt3A : i32 to vector<16xi32>
      %gt3A_255 = arith.cmpi sgt, %all_reduce_population_count3A, %gt3A_254 : vector<16xi32>
      %eq3A = arith.constant 0 : i32
      %eq3A_256 = vector.broadcast %eq3A : i32 to vector<16xi32>
      %eq3A_257 = arith.cmpi eq, %scan3A_232, %eq3A_256 : vector<16xi32>
      %and3A = arith.andi %gt3A_255, %eq3A_257 : vector<16xi1>
      %select_n3A = arith.select %ge3A, %broadcast_in_dim3A_3, %add3A_246 : vector<16xi1>, vector<16xi32>
      %reduce_max3A = arith.constant true
      %reduce_max3A_258 = vector.broadcast %reduce_max3A : i1 to vector<16xi1>
      %reduce_max3A_259 = arith.constant -2147483648 : i32
      %reduce_max3A_260 = vector.broadcast %reduce_max3A_259 : i32 to vector<16xi32>
      %reduce_max3A_261 = arith.xori %select_n3A, %reduce_max3A_260 : vector<16xi32>
      %reduce_max3A_262 = tpu.scan <max>, %reduce_max3A_261 masked %reduce_max3A_258 : vector<16xi32>, vector<16xi1> -> vector<16xi32>
      %reduce_max3A_263 = arith.xori %reduce_max3A_262, %reduce_max3A_260 : vector<16xi32>
      %reduce_max3A_264 = vector.extract %reduce_max3A_263[15] : i32 from vector<16xi32>
      %max3A = vector.broadcast %reduce_max3A_264 : i32 to vector<16xi32>
      %max3A_265 = arith.maxsi %max3A, %scan3A_231 : vector<16xi32>
      %select_n3A_266 = arith.select %and3A, %add3A_253, %scan3A_233 : vector<16xi1>, vector<16xi32>
      %select_n3A_267 = arith.select %and3A, %max3A_265, %scan3A_234 : vector<16xi1>, vector<16xi32>
      %gt3A_268 = arith.constant 0 : i32
      %gt3A_269 = vector.broadcast %gt3A_268 : i32 to vector<16xi32>
      %gt3A_270 = arith.cmpi sgt, %all_reduce_population_count3A, %gt3A_269 : vector<16xi32>
      %select_n3A_271 = arith.select %gt3A_270, %broadcast_in_dim3A_1, %scan3A_232 : vector<16xi1>, vector<16xi32>
      %reduce_sum3A = arith.constant true
      %reduce_sum3A_272 = vector.broadcast %reduce_sum3A : i1 to vector<16xi1>
      %reduce_sum3A_273 = tpu.scan <sum>, %get3A_239 masked %reduce_sum3A_272 : vector<16xi32>, vector<16xi1> -> vector<16xi32>
      %reduce_sum3A_274 = vector.extract %reduce_sum3A_273[15] : i32 from vector<16xi32>
      %add3A_275 = vector.broadcast %reduce_sum3A_274 : i32 to vector<16xi32>
      %add3A_276 = arith.addi %scan3A_231, %add3A_275 : vector<16xi32>
      scf.yield %add3A_276, %select_n3A_271, %select_n3A_266, %select_n3A_267 : vector<16xi32>, vector<16xi32>, vector<16xi32>, vector<16xi32>
    }
    %scan3A_105 = arith.constant 16 : i32
    %sub3A_106 = arith.subi %sub3A, %scan3A_104#3 : vector<16xi32>
    %broadcast_in_dim3A_107 = arith.constant 8 : i32
    %broadcast_in_dim3A_108 = vector.broadcast %broadcast_in_dim3A_107 : i32 to vector<16xi32>
    %shift_left3A_109 = arith.shli %add3A_59, %broadcast_in_dim3A_108 : vector<16xi32>
    %add3A_110 = arith.addi %shift_left3A_109, %scan3A_104#2 : vector<16xi32>
    %broadcast_in_dim3A_111 = arith.constant 8 : i32
    %broadcast_in_dim3A_112 = vector.broadcast %broadcast_in_dim3A_111 : i32 to vector<16xi32>
    %broadcast_in_dim3A_113 = arith.constant 16 : i32
    %broadcast_in_dim3A_114 = vector.broadcast %broadcast_in_dim3A_113 : i32 to vector<16xi32>
    %swap3A_115 = arith.constant 0 : index
    %swap3A_116 = tpu.vector_load %arg6[%swap3A_115] {strides = array<i32>} : memref<256xi32, #tpu.memory_space<vmem>>, vector<16xi32>,
    tpu.vector_store %arg6[%swap3A_115], %broadcast_in_dim3A_3 {strides = array<i32>} : memref<256xi32, #tpu.memory_space<vmem>>, vector<16xi32>,
    %swap3A_117 = arith.constant 16 : index
    %swap3A_118 = tpu.vector_load %arg6[%swap3A_117] {strides = array<i32>} : memref<256xi32, #tpu.memory_space<vmem>>, vector<16xi32>,
    tpu.vector_store %arg6[%swap3A_117], %broadcast_in_dim3A_3 {strides = array<i32>} : memref<256xi32, #tpu.memory_space<vmem>>, vector<16xi32>,
    %swap3A_119 = arith.constant 32 : index
    %swap3A_120 = tpu.vector_load %arg6[%swap3A_119] {strides = array<i32>} : memref<256xi32, #tpu.memory_space<vmem>>, vector<16xi32>,
    tpu.vector_store %arg6[%swap3A_119], %broadcast_in_dim3A_3 {strides = array<i32>} : memref<256xi32, #tpu.memory_space<vmem>>, vector<16xi32>,
    %swap3A_121 = arith.constant 48 : index
    %swap3A_122 = tpu.vector_load %arg6[%swap3A_121] {strides = array<i32>} : memref<256xi32, #tpu.memory_space<vmem>>, vector<16xi32>,
    tpu.vector_store %arg6[%swap3A_121], %broadcast_in_dim3A_3 {strides = array<i32>} : memref<256xi32, #tpu.memory_space<vmem>>, vector<16xi32>,
    %swap3A_123 = arith.constant 64 : index
    %swap3A_124 = tpu.vector_load %arg6[%swap3A_123] {strides = array<i32>} : memref<256xi32, #tpu.memory_space<vmem>>, vector<16xi32>,
    tpu.vector_store %arg6[%swap3A_123], %broadcast_in_dim3A_3 {strides = array<i32>} : memref<256xi32, #tpu.memory_space<vmem>>, vector<16xi32>,
    %swap3A_125 = arith.constant 80 : index
    %swap3A_126 = tpu.vector_load %arg6[%swap3A_125] {strides = array<i32>} : memref<256xi32, #tpu.memory_space<vmem>>, vector<16xi32>,
    tpu.vector_store %arg6[%swap3A_125], %broadcast_in_dim3A_3 {strides = array<i32>} : memref<256xi32, #tpu.memory_space<vmem>>, vector<16xi32>,
    %swap3A_127 = arith.constant 96 : index
    %swap3A_128 = tpu.vector_load %arg6[%swap3A_127] {strides = array<i32>} : memref<256xi32, #tpu.memory_space<vmem>>, vector<16xi32>,
    tpu.vector_store %arg6[%swap3A_127], %broadcast_in_dim3A_3 {strides = array<i32>} : memref<256xi32, #tpu.memory_space<vmem>>, vector<16xi32>,
    %swap3A_129 = arith.constant 112 : index
    %swap3A_130 = tpu.vector_load %arg6[%swap3A_129] {strides = array<i32>} : memref<256xi32, #tpu.memory_space<vmem>>, vector<16xi32>,
    tpu.vector_store %arg6[%swap3A_129], %broadcast_in_dim3A_3 {strides = array<i32>} : memref<256xi32, #tpu.memory_space<vmem>>, vector<16xi32>,
    %swap3A_131 = arith.constant 128 : index
    %swap3A_132 = tpu.vector_load %arg6[%swap3A_131] {strides = array<i32>} : memref<256xi32, #tpu.memory_space<vmem>>, vector<16xi32>,
    tpu.vector_store %arg6[%swap3A_131], %broadcast_in_dim3A_3 {strides = array<i32>} : memref<256xi32, #tpu.memory_space<vmem>>, vector<16xi32>,
    %swap3A_133 = arith.constant 144 : index
    %swap3A_134 = tpu.vector_load %arg6[%swap3A_133] {strides = array<i32>} : memref<256xi32, #tpu.memory_space<vmem>>, vector<16xi32>,
    tpu.vector_store %arg6[%swap3A_133], %broadcast_in_dim3A_3 {strides = array<i32>} : memref<256xi32, #tpu.memory_space<vmem>>, vector<16xi32>,
    %swap3A_135 = arith.constant 160 : index
    %swap3A_136 = tpu.vector_load %arg6[%swap3A_135] {strides = array<i32>} : memref<256xi32, #tpu.memory_space<vmem>>, vector<16xi32>,
    tpu.vector_store %arg6[%swap3A_135], %broadcast_in_dim3A_3 {strides = array<i32>} : memref<256xi32, #tpu.memory_space<vmem>>, vector<16xi32>,
    %swap3A_137 = arith.constant 176 : index
    %swap3A_138 = tpu.vector_load %arg6[%swap3A_137] {strides = array<i32>} : memref<256xi32, #tpu.memory_space<vmem>>, vector<16xi32>,
    tpu.vector_store %arg6[%swap3A_137], %broadcast_in_dim3A_3 {strides = array<i32>} : memref<256xi32, #tpu.memory_space<vmem>>, vector<16xi32>,
    %swap3A_139 = arith.constant 192 : index
    %swap3A_140 = tpu.vector_load %arg6[%swap3A_139] {strides = array<i32>} : memref<256xi32, #tpu.memory_space<vmem>>, vector<16xi32>,
    tpu.vector_store %arg6[%swap3A_139], %broadcast_in_dim3A_3 {strides = array<i32>} : memref<256xi32, #tpu.memory_space<vmem>>, vector<16xi32>,
    %swap3A_141 = arith.constant 208 : index
    %swap3A_142 = tpu.vector_load %arg6[%swap3A_141] {strides = array<i32>} : memref<256xi32, #tpu.memory_space<vmem>>, vector<16xi32>,
    tpu.vector_store %arg6[%swap3A_141], %broadcast_in_dim3A_3 {strides = array<i32>} : memref<256xi32, #tpu.memory_space<vmem>>, vector<16xi32>,
    %swap3A_143 = arith.constant 224 : index
    %swap3A_144 = tpu.vector_load %arg6[%swap3A_143] {strides = array<i32>} : memref<256xi32, #tpu.memory_space<vmem>>, vector<16xi32>,
    tpu.vector_store %arg6[%swap3A_143], %broadcast_in_dim3A_3 {strides = array<i32>} : memref<256xi32, #tpu.memory_space<vmem>>, vector<16xi32>,
    %swap3A_145 = arith.constant 240 : index
    %swap3A_146 = tpu.vector_load %arg6[%swap3A_145] {strides = array<i32>} : memref<256xi32, #tpu.memory_space<vmem>>, vector<16xi32>,
    tpu.vector_store %arg6[%swap3A_145], %broadcast_in_dim3A_3 {strides = array<i32>} : memref<256xi32, #tpu.memory_space<vmem>>, vector<16xi32>,
    %parallel_loop3A_147 = arith.constant 0 : i32
    %parallel_loop3A_148 = arith.constant 512 : i32
    %parallel_loop3A_149 = arith.constant 1 : i32
    %parallel_loop3A_150 = arith.constant 0 : i32
    scf.for %parallel_loop3A_230 = %parallel_loop3A_147 to %parallel_loop3A_148 step %parallel_loop3A_149  : i32 {
      %parallel_loop3A_231 = arith.constant 16 : i32
      %parallel_loop3A_232 = arith.muli %parallel_loop3A_230, %parallel_loop3A_231 : i32
      %parallel_loop3A_233 = arith.constant 0 : i32
      %parallel_loop3A_234 = tpu.memref_slice %arg4[%parallel_loop3A_150, %parallel_loop3A_233] : memref<1x8192xi32, #tpu.memory_space<vmem>> -> memref<1x8192xi32, #tpu.memory_space<vmem>>
      %parallel_loop3A_235 = tpu.memref_squeeze %parallel_loop3A_234 : memref<1x8192xi32, #tpu.memory_space<vmem>> -> memref<8192xi32, #tpu.memory_space<vmem>>
      %parallel_loop3A_236 = arith.index_cast %parallel_loop3A_232 : i32 to index
      %parallel_loop3A_237 = tpu.vector_load %parallel_loop3A_235[%parallel_loop3A_236] {strides = array<i32>} : memref<8192xi32, #tpu.memory_space<vmem>>, vector<16xi32>,
      %parallel_loop3A_238 = arith.shrui %parallel_loop3A_237, %broadcast_in_dim3A_112 : vector<16xi32>
      %parallel_loop3A_239 = arith.constant 255 : i32
      %parallel_loop3A_240 = vector.broadcast %parallel_loop3A_239 : i32 to vector<16xi32>
      %parallel_loop3A_241 = arith.andi %parallel_loop3A_238, %parallel_loop3A_240 : vector<16xi32>
      %parallel_loop3A_242 = arith.shrui %parallel_loop3A_237, %broadcast_in_dim3A_114 : vector<16xi32>
      %parallel_loop3A_243 = arith.cmpi eq, %parallel_loop3A_242, %add3A_110 : vector<16xi32>
      tpu.vector_store_idx %arg6[%parallel_loop3A_241], %broadcast_in_dim3A_1 masked %parallel_loop3A_243 {add = true} : memref<256xi32, #tpu.memory_space<vmem>>[vector<16xi32>], vector<16xi32>, vector<16xi1>
    } {sc.loop_unroll_factor = 8 : i64, sc.parallel_access}
    %scan3A_151 = arith.constant 0 : i32
    %scan3A_152 = arith.constant 16 : i32
    %scan3A_153 = arith.addi %scan3A_151, %scan3A_152 : i32
    %scan3A_154 = arith.constant 1 : i32
    %scan3A_155:4 = scf.for %scan3A_230 = %scan3A_151 to %scan3A_153 step %scan3A_154 iter_args(%scan3A_231 = %broadcast_in_dim3A_3, %scan3A_232 = %broadcast_in_dim3A_3, %scan3A_233 = %broadcast_in_dim3A_3, %scan3A_234 = %broadcast_in_dim3A_3) -> (vector<16xi32>, vector<16xi32>, vector<16xi32>, vector<16xi32>)  : i32 {
      %sub3A_235 = arith.constant 15 : i32
      %sub3A_236 = arith.subi %sub3A_235, %scan3A_230 : i32
      %mul3A_237 = arith.constant 16 : i32
      %mul3A_238 = arith.muli %sub3A_236, %mul3A_237 : i32
      %get3A = arith.index_cast %mul3A_238 : i32 to index
      %get3A_239 = tpu.vector_load %arg6[%get3A] {strides = array<i32>} : memref<256xi32, #tpu.memory_space<vmem>>, vector<16xi32>,
      %rev3A = arith.constant 15 : i32
      %rev3A_240 = vector.broadcast %rev3A : i32 to vector<16xi32>
      %rev3A_241 = tpu.iota {dimensions = array<i32: 0>} : vector<16xi32>
      %rev3A_242 = arith.subi %rev3A_240, %rev3A_241 : vector<16xi32>
      %rev3A_243 = tpu.dynamic_gather %get3A_239[%rev3A_242] in [0] : vector<16xi32>, vector<16xi32> -> vector<16xi32>
      %broadcast_in_dim3A_244 = arith.constant true
      %broadcast_in_dim3A_245 = vector.broadcast %broadcast_in_dim3A_244 : i1 to vector<16xi1>
      %masked_cumsum3A = tpu.scan <sum>, %rev3A_243 masked %broadcast_in_dim3A_245 : vector<16xi32>, vector<16xi1> -> vector<16xi32>
      %add3A_246 = arith.addi %masked_cumsum3A, %scan3A_231 : vector<16xi32>
      %ge3A = arith.cmpi sge, %add3A_246, %sub3A_106 : vector<16xi32>
      %all_reduce_population_count3A = tpu.all_reduce %ge3A {dim = 0 : i64, kind = #tpu.reduction_kind<sum>} : vector<16xi1> -> vector<16xi32>
      %all_reduce_ffs3A = tpu.all_reduce %ge3A {dim = 0 : i64, kind = #tpu.reduction_kind<find_first_set>} : vector<16xi1> -> vector<16xi32>
      %broadcast_in_dim3A_247 = arith.constant 15 : i32
      %broadcast_in_dim3A_248 = vector.broadcast %broadcast_in_dim3A_247 : i32 to vector<16xi32>
      %sub3A_249 = arith.subi %broadcast_in_dim3A_248, %all_reduce_ffs3A : vector<16xi32>
      %mul3A_250 = arith.constant 16 : i32
      %mul3A_251 = arith.muli %sub3A_236, %mul3A_250 : i32
      %add3A_252 = vector.broadcast %mul3A_251 : i32 to vector<16xi32>
      %add3A_253 = arith.addi %sub3A_249, %add3A_252 : vector<16xi32>
      %gt3A = arith.constant 0 : i32
      %gt3A_254 = vector.broadcast %gt3A : i32 to vector<16xi32>
      %gt3A_255 = arith.cmpi sgt, %all_reduce_population_count3A, %gt3A_254 : vector<16xi32>
      %eq3A = arith.constant 0 : i32
      %eq3A_256 = vector.broadcast %eq3A : i32 to vector<16xi32>
      %eq3A_257 = arith.cmpi eq, %scan3A_232, %eq3A_256 : vector<16xi32>
      %and3A = arith.andi %gt3A_255, %eq3A_257 : vector<16xi1>
      %select_n3A = arith.select %ge3A, %broadcast_in_dim3A_3, %add3A_246 : vector<16xi1>, vector<16xi32>
      %reduce_max3A = arith.constant true
      %reduce_max3A_258 = vector.broadcast %reduce_max3A : i1 to vector<16xi1>
      %reduce_max3A_259 = arith.constant -2147483648 : i32
      %reduce_max3A_260 = vector.broadcast %reduce_max3A_259 : i32 to vector<16xi32>
      %reduce_max3A_261 = arith.xori %select_n3A, %reduce_max3A_260 : vector<16xi32>
      %reduce_max3A_262 = tpu.scan <max>, %reduce_max3A_261 masked %reduce_max3A_258 : vector<16xi32>, vector<16xi1> -> vector<16xi32>
      %reduce_max3A_263 = arith.xori %reduce_max3A_262, %reduce_max3A_260 : vector<16xi32>
      %reduce_max3A_264 = vector.extract %reduce_max3A_263[15] : i32 from vector<16xi32>
      %max3A = vector.broadcast %reduce_max3A_264 : i32 to vector<16xi32>
      %max3A_265 = arith.maxsi %max3A, %scan3A_231 : vector<16xi32>
      %select_n3A_266 = arith.select %and3A, %add3A_253, %scan3A_233 : vector<16xi1>, vector<16xi32>
      %select_n3A_267 = arith.select %and3A, %max3A_265, %scan3A_234 : vector<16xi1>, vector<16xi32>
      %gt3A_268 = arith.constant 0 : i32
      %gt3A_269 = vector.broadcast %gt3A_268 : i32 to vector<16xi32>
      %gt3A_270 = arith.cmpi sgt, %all_reduce_population_count3A, %gt3A_269 : vector<16xi32>
      %select_n3A_271 = arith.select %gt3A_270, %broadcast_in_dim3A_1, %scan3A_232 : vector<16xi1>, vector<16xi32>
      %reduce_sum3A = arith.constant true
      %reduce_sum3A_272 = vector.broadcast %reduce_sum3A : i1 to vector<16xi1>
      %reduce_sum3A_273 = tpu.scan <sum>, %get3A_239 masked %reduce_sum3A_272 : vector<16xi32>, vector<16xi1> -> vector<16xi32>
      %reduce_sum3A_274 = vector.extract %reduce_sum3A_273[15] : i32 from vector<16xi32>
      %add3A_275 = vector.broadcast %reduce_sum3A_274 : i32 to vector<16xi32>
      %add3A_276 = arith.addi %scan3A_231, %add3A_275 : vector<16xi32>
      scf.yield %add3A_276, %select_n3A_271, %select_n3A_266, %select_n3A_267 : vector<16xi32>, vector<16xi32>, vector<16xi32>, vector<16xi32>
    }
    %scan3A_156 = arith.constant 16 : i32
    %sub3A_157 = arith.subi %sub3A_106, %scan3A_155#3 : vector<16xi32>
    %broadcast_in_dim3A_158 = arith.constant 8 : i32
    %broadcast_in_dim3A_159 = vector.broadcast %broadcast_in_dim3A_158 : i32 to vector<16xi32>
    %shift_left3A_160 = arith.shli %add3A_110, %broadcast_in_dim3A_159 : vector<16xi32>
    %add3A_161 = arith.addi %shift_left3A_160, %scan3A_155#2 : vector<16xi32>
    %broadcast_in_dim3A_162 = arith.constant 0 : i32
    %broadcast_in_dim3A_163 = vector.broadcast %broadcast_in_dim3A_162 : i32 to vector<16xi32>
    %broadcast_in_dim3A_164 = arith.constant 8 : i32
    %broadcast_in_dim3A_165 = vector.broadcast %broadcast_in_dim3A_164 : i32 to vector<16xi32>
    %swap3A_166 = arith.constant 0 : index
    %swap3A_167 = tpu.vector_load %arg6[%swap3A_166] {strides = array<i32>} : memref<256xi32, #tpu.memory_space<vmem>>, vector<16xi32>,
    tpu.vector_store %arg6[%swap3A_166], %broadcast_in_dim3A_3 {strides = array<i32>} : memref<256xi32, #tpu.memory_space<vmem>>, vector<16xi32>,
    %swap3A_168 = arith.constant 16 : index
    %swap3A_169 = tpu.vector_load %arg6[%swap3A_168] {strides = array<i32>} : memref<256xi32, #tpu.memory_space<vmem>>, vector<16xi32>,
    tpu.vector_store %arg6[%swap3A_168], %broadcast_in_dim3A_3 {strides = array<i32>} : memref<256xi32, #tpu.memory_space<vmem>>, vector<16xi32>,
    %swap3A_170 = arith.constant 32 : index
    %swap3A_171 = tpu.vector_load %arg6[%swap3A_170] {strides = array<i32>} : memref<256xi32, #tpu.memory_space<vmem>>, vector<16xi32>,
    tpu.vector_store %arg6[%swap3A_170], %broadcast_in_dim3A_3 {strides = array<i32>} : memref<256xi32, #tpu.memory_space<vmem>>, vector<16xi32>,
    %swap3A_172 = arith.constant 48 : index
    %swap3A_173 = tpu.vector_load %arg6[%swap3A_172] {strides = array<i32>} : memref<256xi32, #tpu.memory_space<vmem>>, vector<16xi32>,
    tpu.vector_store %arg6[%swap3A_172], %broadcast_in_dim3A_3 {strides = array<i32>} : memref<256xi32, #tpu.memory_space<vmem>>, vector<16xi32>,
    %swap3A_174 = arith.constant 64 : index
    %swap3A_175 = tpu.vector_load %arg6[%swap3A_174] {strides = array<i32>} : memref<256xi32, #tpu.memory_space<vmem>>, vector<16xi32>,
    tpu.vector_store %arg6[%swap3A_174], %broadcast_in_dim3A_3 {strides = array<i32>} : memref<256xi32, #tpu.memory_space<vmem>>, vector<16xi32>,
    %swap3A_176 = arith.constant 80 : index
    %swap3A_177 = tpu.vector_load %arg6[%swap3A_176] {strides = array<i32>} : memref<256xi32, #tpu.memory_space<vmem>>, vector<16xi32>,
    tpu.vector_store %arg6[%swap3A_176], %broadcast_in_dim3A_3 {strides = array<i32>} : memref<256xi32, #tpu.memory_space<vmem>>, vector<16xi32>,
    %swap3A_178 = arith.constant 96 : index
    %swap3A_179 = tpu.vector_load %arg6[%swap3A_178] {strides = array<i32>} : memref<256xi32, #tpu.memory_space<vmem>>, vector<16xi32>,
    tpu.vector_store %arg6[%swap3A_178], %broadcast_in_dim3A_3 {strides = array<i32>} : memref<256xi32, #tpu.memory_space<vmem>>, vector<16xi32>,
    %swap3A_180 = arith.constant 112 : index
    %swap3A_181 = tpu.vector_load %arg6[%swap3A_180] {strides = array<i32>} : memref<256xi32, #tpu.memory_space<vmem>>, vector<16xi32>,
    tpu.vector_store %arg6[%swap3A_180], %broadcast_in_dim3A_3 {strides = array<i32>} : memref<256xi32, #tpu.memory_space<vmem>>, vector<16xi32>,
    %swap3A_182 = arith.constant 128 : index
    %swap3A_183 = tpu.vector_load %arg6[%swap3A_182] {strides = array<i32>} : memref<256xi32, #tpu.memory_space<vmem>>, vector<16xi32>,
    tpu.vector_store %arg6[%swap3A_182], %broadcast_in_dim3A_3 {strides = array<i32>} : memref<256xi32, #tpu.memory_space<vmem>>, vector<16xi32>,
    %swap3A_184 = arith.constant 144 : index
    %swap3A_185 = tpu.vector_load %arg6[%swap3A_184] {strides = array<i32>} : memref<256xi32, #tpu.memory_space<vmem>>, vector<16xi32>,
    tpu.vector_store %arg6[%swap3A_184], %broadcast_in_dim3A_3 {strides = array<i32>} : memref<256xi32, #tpu.memory_space<vmem>>, vector<16xi32>,
    %swap3A_186 = arith.constant 160 : index
    %swap3A_187 = tpu.vector_load %arg6[%swap3A_186] {strides = array<i32>} : memref<256xi32, #tpu.memory_space<vmem>>, vector<16xi32>,
    tpu.vector_store %arg6[%swap3A_186], %broadcast_in_dim3A_3 {strides = array<i32>} : memref<256xi32, #tpu.memory_space<vmem>>, vector<16xi32>,
    %swap3A_188 = arith.constant 176 : index
    %swap3A_189 = tpu.vector_load %arg6[%swap3A_188] {strides = array<i32>} : memref<256xi32, #tpu.memory_space<vmem>>, vector<16xi32>,
    tpu.vector_store %arg6[%swap3A_188], %broadcast_in_dim3A_3 {strides = array<i32>} : memref<256xi32, #tpu.memory_space<vmem>>, vector<16xi32>,
    %swap3A_190 = arith.constant 192 : index
    %swap3A_191 = tpu.vector_load %arg6[%swap3A_190] {strides = array<i32>} : memref<256xi32, #tpu.memory_space<vmem>>, vector<16xi32>,
    tpu.vector_store %arg6[%swap3A_190], %broadcast_in_dim3A_3 {strides = array<i32>} : memref<256xi32, #tpu.memory_space<vmem>>, vector<16xi32>,
    %swap3A_192 = arith.constant 208 : index
    %swap3A_193 = tpu.vector_load %arg6[%swap3A_192] {strides = array<i32>} : memref<256xi32, #tpu.memory_space<vmem>>, vector<16xi32>,
    tpu.vector_store %arg6[%swap3A_192], %broadcast_in_dim3A_3 {strides = array<i32>} : memref<256xi32, #tpu.memory_space<vmem>>, vector<16xi32>,
    %swap3A_194 = arith.constant 224 : index
    %swap3A_195 = tpu.vector_load %arg6[%swap3A_194] {strides = array<i32>} : memref<256xi32, #tpu.memory_space<vmem>>, vector<16xi32>,
    tpu.vector_store %arg6[%swap3A_194], %broadcast_in_dim3A_3 {strides = array<i32>} : memref<256xi32, #tpu.memory_space<vmem>>, vector<16xi32>,
    %swap3A_196 = arith.constant 240 : index
    %swap3A_197 = tpu.vector_load %arg6[%swap3A_196] {strides = array<i32>} : memref<256xi32, #tpu.memory_space<vmem>>, vector<16xi32>,
    tpu.vector_store %arg6[%swap3A_196], %broadcast_in_dim3A_3 {strides = array<i32>} : memref<256xi32, #tpu.memory_space<vmem>>, vector<16xi32>,
    %parallel_loop3A_198 = arith.constant 0 : i32
    %parallel_loop3A_199 = arith.constant 512 : i32
    %parallel_loop3A_200 = arith.constant 1 : i32
    %parallel_loop3A_201 = arith.constant 0 : i32
    scf.for %parallel_loop3A_230 = %parallel_loop3A_198 to %parallel_loop3A_199 step %parallel_loop3A_200  : i32 {
      %parallel_loop3A_231 = arith.constant 16 : i32
      %parallel_loop3A_232 = arith.muli %parallel_loop3A_230, %parallel_loop3A_231 : i32
      %parallel_loop3A_233 = arith.constant 0 : i32
      %parallel_loop3A_234 = tpu.memref_slice %arg4[%parallel_loop3A_201, %parallel_loop3A_233] : memref<1x8192xi32, #tpu.memory_space<vmem>> -> memref<1x8192xi32, #tpu.memory_space<vmem>>
      %parallel_loop3A_235 = tpu.memref_squeeze %parallel_loop3A_234 : memref<1x8192xi32, #tpu.memory_space<vmem>> -> memref<8192xi32, #tpu.memory_space<vmem>>
      %parallel_loop3A_236 = arith.index_cast %parallel_loop3A_232 : i32 to index
      %parallel_loop3A_237 = tpu.vector_load %parallel_loop3A_235[%parallel_loop3A_236] {strides = array<i32>} : memref<8192xi32, #tpu.memory_space<vmem>>, vector<16xi32>,
      %parallel_loop3A_238 = arith.shrui %parallel_loop3A_237, %broadcast_in_dim3A_163 : vector<16xi32>
      %parallel_loop3A_239 = arith.constant 255 : i32
      %parallel_loop3A_240 = vector.broadcast %parallel_loop3A_239 : i32 to vector<16xi32>
      %parallel_loop3A_241 = arith.andi %parallel_loop3A_238, %parallel_loop3A_240 : vector<16xi32>
      %parallel_loop3A_242 = arith.shrui %parallel_loop3A_237, %broadcast_in_dim3A_165 : vector<16xi32>
      %parallel_loop3A_243 = arith.cmpi eq, %parallel_loop3A_242, %add3A_161 : vector<16xi32>
      tpu.vector_store_idx %arg6[%parallel_loop3A_241], %broadcast_in_dim3A_1 masked %parallel_loop3A_243 {add = true} : memref<256xi32, #tpu.memory_space<vmem>>[vector<16xi32>], vector<16xi32>, vector<16xi1>
    } {sc.loop_unroll_factor = 8 : i64, sc.parallel_access}
    %scan3A_202 = arith.constant 0 : i32
    %scan3A_203 = arith.constant 16 : i32
    %scan3A_204 = arith.addi %scan3A_202, %scan3A_203 : i32
    %scan3A_205 = arith.constant 1 : i32
    %scan3A_206:4 = scf.for %scan3A_230 = %scan3A_202 to %scan3A_204 step %scan3A_205 iter_args(%scan3A_231 = %broadcast_in_dim3A_3, %scan3A_232 = %broadcast_in_dim3A_3, %scan3A_233 = %broadcast_in_dim3A_3, %scan3A_234 = %broadcast_in_dim3A_3) -> (vector<16xi32>, vector<16xi32>, vector<16xi32>, vector<16xi32>)  : i32 {
      %sub3A_235 = arith.constant 15 : i32
      %sub3A_236 = arith.subi %sub3A_235, %scan3A_230 : i32
      %mul3A_237 = arith.constant 16 : i32
      %mul3A_238 = arith.muli %sub3A_236, %mul3A_237 : i32
      %get3A = arith.index_cast %mul3A_238 : i32 to index
      %get3A_239 = tpu.vector_load %arg6[%get3A] {strides = array<i32>} : memref<256xi32, #tpu.memory_space<vmem>>, vector<16xi32>,
      %rev3A = arith.constant 15 : i32
      %rev3A_240 = vector.broadcast %rev3A : i32 to vector<16xi32>
      %rev3A_241 = tpu.iota {dimensions = array<i32: 0>} : vector<16xi32>
      %rev3A_242 = arith.subi %rev3A_240, %rev3A_241 : vector<16xi32>
      %rev3A_243 = tpu.dynamic_gather %get3A_239[%rev3A_242] in [0] : vector<16xi32>, vector<16xi32> -> vector<16xi32>
      %broadcast_in_dim3A_244 = arith.constant true
      %broadcast_in_dim3A_245 = vector.broadcast %broadcast_in_dim3A_244 : i1 to vector<16xi1>
      %masked_cumsum3A = tpu.scan <sum>, %rev3A_243 masked %broadcast_in_dim3A_245 : vector<16xi32>, vector<16xi1> -> vector<16xi32>
      %add3A_246 = arith.addi %masked_cumsum3A, %scan3A_231 : vector<16xi32>
      %ge3A = arith.cmpi sge, %add3A_246, %sub3A_157 : vector<16xi32>
      %all_reduce_population_count3A = tpu.all_reduce %ge3A {dim = 0 : i64, kind = #tpu.reduction_kind<sum>} : vector<16xi1> -> vector<16xi32>
      %all_reduce_ffs3A = tpu.all_reduce %ge3A {dim = 0 : i64, kind = #tpu.reduction_kind<find_first_set>} : vector<16xi1> -> vector<16xi32>
      %broadcast_in_dim3A_247 = arith.constant 15 : i32
      %broadcast_in_dim3A_248 = vector.broadcast %broadcast_in_dim3A_247 : i32 to vector<16xi32>
      %sub3A_249 = arith.subi %broadcast_in_dim3A_248, %all_reduce_ffs3A : vector<16xi32>
      %mul3A_250 = arith.constant 16 : i32
      %mul3A_251 = arith.muli %sub3A_236, %mul3A_250 : i32
      %add3A_252 = vector.broadcast %mul3A_251 : i32 to vector<16xi32>
      %add3A_253 = arith.addi %sub3A_249, %add3A_252 : vector<16xi32>
      %gt3A = arith.constant 0 : i32
      %gt3A_254 = vector.broadcast %gt3A : i32 to vector<16xi32>
      %gt3A_255 = arith.cmpi sgt, %all_reduce_population_count3A, %gt3A_254 : vector<16xi32>
      %eq3A = arith.constant 0 : i32
      %eq3A_256 = vector.broadcast %eq3A : i32 to vector<16xi32>
      %eq3A_257 = arith.cmpi eq, %scan3A_232, %eq3A_256 : vector<16xi32>
      %and3A = arith.andi %gt3A_255, %eq3A_257 : vector<16xi1>
      %select_n3A = arith.select %ge3A, %broadcast_in_dim3A_3, %add3A_246 : vector<16xi1>, vector<16xi32>
      %reduce_max3A = arith.constant true
      %reduce_max3A_258 = vector.broadcast %reduce_max3A : i1 to vector<16xi1>
      %reduce_max3A_259 = arith.constant -2147483648 : i32
      %reduce_max3A_260 = vector.broadcast %reduce_max3A_259 : i32 to vector<16xi32>
      %reduce_max3A_261 = arith.xori %select_n3A, %reduce_max3A_260 : vector<16xi32>
      %reduce_max3A_262 = tpu.scan <max>, %reduce_max3A_261 masked %reduce_max3A_258 : vector<16xi32>, vector<16xi1> -> vector<16xi32>
      %reduce_max3A_263 = arith.xori %reduce_max3A_262, %reduce_max3A_260 : vector<16xi32>
      %reduce_max3A_264 = vector.extract %reduce_max3A_263[15] : i32 from vector<16xi32>
      %max3A = vector.broadcast %reduce_max3A_264 : i32 to vector<16xi32>
      %max3A_265 = arith.maxsi %max3A, %scan3A_231 : vector<16xi32>
      %select_n3A_266 = arith.select %and3A, %add3A_253, %scan3A_233 : vector<16xi1>, vector<16xi32>
      %select_n3A_267 = arith.select %and3A, %max3A_265, %scan3A_234 : vector<16xi1>, vector<16xi32>
      %gt3A_268 = arith.constant 0 : i32
      %gt3A_269 = vector.broadcast %gt3A_268 : i32 to vector<16xi32>
      %gt3A_270 = arith.cmpi sgt, %all_reduce_population_count3A, %gt3A_269 : vector<16xi32>
      %select_n3A_271 = arith.select %gt3A_270, %broadcast_in_dim3A_1, %scan3A_232 : vector<16xi1>, vector<16xi32>
      %reduce_sum3A = arith.constant true
      %reduce_sum3A_272 = vector.broadcast %reduce_sum3A : i1 to vector<16xi1>
      %reduce_sum3A_273 = tpu.scan <sum>, %get3A_239 masked %reduce_sum3A_272 : vector<16xi32>, vector<16xi1> -> vector<16xi32>
      %reduce_sum3A_274 = vector.extract %reduce_sum3A_273[15] : i32 from vector<16xi32>
      %add3A_275 = vector.broadcast %reduce_sum3A_274 : i32 to vector<16xi32>
      %add3A_276 = arith.addi %scan3A_231, %add3A_275 : vector<16xi32>
      scf.yield %add3A_276, %select_n3A_271, %select_n3A_266, %select_n3A_267 : vector<16xi32>, vector<16xi32>, vector<16xi32>, vector<16xi32>
    }
    %scan3A_207 = arith.constant 16 : i32
    %sub3A_208 = arith.subi %sub3A_157, %scan3A_206#3 : vector<16xi32>
    %broadcast_in_dim3A_209 = arith.constant 8 : i32
    %broadcast_in_dim3A_210 = vector.broadcast %broadcast_in_dim3A_209 : i32 to vector<16xi32>
    %shift_left3A_211 = arith.shli %add3A_161, %broadcast_in_dim3A_210 : vector<16xi32>
    %add3A_212 = arith.addi %shift_left3A_211, %scan3A_206#2 : vector<16xi32>
    %xor3A = arith.xori %add3A_212, %broadcast_in_dim3A_5 : vector<16xi32>
    %broadcast_in_dim3A_213 = arith.constant 1.000000e+00 : f32
    %broadcast_in_dim3A_214 = vector.broadcast %broadcast_in_dim3A_213 : f32 to vector<16xf32>
    %broadcast_in_dim3A_215 = arith.constant 0.000000e+00 : f32
    %broadcast_in_dim3A_216 = vector.broadcast %broadcast_in_dim3A_215 : f32 to vector<16xf32>
    %parallel_loop3A_217 = arith.constant 0 : i32
    %parallel_loop3A_218 = arith.constant 512 : i32
    %parallel_loop3A_219 = arith.constant 1 : i32
    %parallel_loop3A_220 = arith.constant 0 : i32
    %parallel_loop3A_221 = arith.constant 0 : i32
    scf.for %parallel_loop3A_230 = %parallel_loop3A_217 to %parallel_loop3A_218 step %parallel_loop3A_219  : i32 {
      %parallel_loop3A_231 = arith.constant 16 : i32
      %parallel_loop3A_232 = arith.muli %parallel_loop3A_230, %parallel_loop3A_231 : i32
      %parallel_loop3A_233 = arith.constant 0 : i32
      %parallel_loop3A_234 = tpu.memref_slice %arg4[%parallel_loop3A_220, %parallel_loop3A_233] : memref<1x8192xi32, #tpu.memory_space<vmem>> -> memref<1x8192xi32, #tpu.memory_space<vmem>>
      %parallel_loop3A_235 = tpu.memref_squeeze %parallel_loop3A_234 : memref<1x8192xi32, #tpu.memory_space<vmem>> -> memref<8192xi32, #tpu.memory_space<vmem>>
      %parallel_loop3A_236 = arith.index_cast %parallel_loop3A_232 : i32 to index
      %parallel_loop3A_237 = tpu.vector_load %parallel_loop3A_235[%parallel_loop3A_236] {strides = array<i32>} : memref<8192xi32, #tpu.memory_space<vmem>>, vector<16xi32>,
      %parallel_loop3A_238 = arith.xori %parallel_loop3A_237, %broadcast_in_dim3A_5 : vector<16xi32>
      %parallel_loop3A_239 = arith.cmpi sge, %parallel_loop3A_238, %xor3A : vector<16xi32>
      %parallel_loop3A_240 = arith.select %parallel_loop3A_239, %broadcast_in_dim3A_214, %broadcast_in_dim3A_216 : vector<16xi1>, vector<16xf32>
      %parallel_loop3A_241 = arith.constant 16 : i32
      %parallel_loop3A_242 = arith.muli %parallel_loop3A_230, %parallel_loop3A_241 : i32
      %parallel_loop3A_243 = arith.constant 0 : i32
      %parallel_loop3A_244 = tpu.memref_slice %arg5[%parallel_loop3A_221, %parallel_loop3A_243] : memref<1x8192xf32, #tpu.memory_space<vmem>> -> memref<1x8192xf32, #tpu.memory_space<vmem>>
      %parallel_loop3A_245 = tpu.memref_squeeze %parallel_loop3A_244 : memref<1x8192xf32, #tpu.memory_space<vmem>> -> memref<8192xf32, #tpu.memory_space<vmem>>
      %parallel_loop3A_246 = arith.index_cast %parallel_loop3A_242 : i32 to index
      %parallel_loop3A_247 = tpu.vector_load %parallel_loop3A_245[%parallel_loop3A_246] {strides = array<i32>} : memref<8192xf32, #tpu.memory_space<vmem>>, vector<16xf32>,
      tpu.vector_store %parallel_loop3A_245[%parallel_loop3A_246], %parallel_loop3A_240 {strides = array<i32>} : memref<8192xf32, #tpu.memory_space<vmem>>, vector<16xf32>,
    } {sc.loop_unroll_factor = 8 : i64, sc.parallel_access}
    %dma_start3A_222 = arith.constant 0 : i32
    %dma_start3A_223 = tpu.memref_slice %arg3[%add3A, %dma_start3A_222] : memref<32x8192xf32, #tpu.memory_space<hbm>> -> memref<1x8192xf32, #tpu.memory_space<hbm>>
    %dma_start3A_224 = arith.constant 0 : i32
    %dma_start3A_225 = tpu.memref_slice %arg3[%add3A, %dma_start3A_224] : memref<32x8192xf32, #tpu.memory_space<hbm>> -> memref<1x8192xf32, #tpu.memory_space<hbm>>
    tpu.enqueue_dma source(%arg5 : memref<1x8192xf32, #tpu.memory_space<vmem>>) target(%dma_start3A_225 : memref<1x8192xf32, #tpu.memory_space<hbm>>) target_semaphore(%arg8 : memref<!tpu.dma_semaphore, #tpu.memory_space<semaphore_mem>>)
    %dma_wait3A_226 = arith.constant 0 : i32
    %dma_wait3A_227 = tpu.memref_slice %arg3[%add3A, %dma_wait3A_226] : memref<32x8192xf32, #tpu.memory_space<hbm>> -> memref<1x8192xf32, #tpu.memory_space<hbm>>
    %dma_wait3A_228 = arith.constant 0 : i32
    %dma_wait3A_229 = tpu.memref_slice %arg3[%add3A, %dma_wait3A_228] : memref<32x8192xf32, #tpu.memory_space<hbm>> -> memref<1x8192xf32, #tpu.memory_space<hbm>>
    tpu.wait_dma2 semaphore(%arg8 : memref<!tpu.dma_semaphore, #tpu.memory_space<semaphore_mem>>) src(%arg5 : memref<1x8192xf32, #tpu.memory_space<vmem>>) dst(%dma_wait3A_229 : memref<1x8192xf32, #tpu.memory_space<hbm>>)
    return
  }
}

module attributes {stable_mosaic.version = 14 : i64} {
  func.func @_search_kernel(%arg0: memref<32x8192xi32, #tpu.memory_space<vmem>>, %arg1: memref<32x8192xf32, #tpu.memory_space<vmem>>) attributes {dimension_semantics = [], scalar_prefetch = 0 : i64, scratch_operands = 0 : i64, tpu.core_type = #tpu.core_type<tc>} {
    %get3A = arith.constant 0 : index
    %get3A_0 = arith.constant 0 : index
    %get3A_1 = vector.load %arg0[%get3A, %get3A_0] : memref<32x8192xi32, #tpu.memory_space<vmem>>, vector<32x8192xi32>
    %xor3A = arith.constant -2147483648 : i32
    %xor3A_2 = vector.broadcast %xor3A : i32 to vector<32x8192xi32>
    %xor3A_3 = arith.xori %get3A_1, %xor3A_2 : vector<32x8192xi32>
    %broadcast_in_dim3A = arith.constant -2147483648 : i32
    %broadcast_in_dim3A_4 = vector.broadcast %broadcast_in_dim3A : i32 to vector<32x1xi32>
    %scan3A = arith.constant 0 : i32
    %scan3A_5 = arith.constant 32 : i32
    %scan3A_6 = arith.addi %scan3A, %scan3A_5 : i32
    %scan3A_7 = arith.constant 1 : i32
    %scan3A_8 = scf.for %scan3A_14 = %scan3A to %scan3A_6 step %scan3A_7 iter_args(%scan3A_15 = %broadcast_in_dim3A_4) -> (vector<32x1xi32>)  : i32 {
      %sub3A = arith.constant 31 : i32
      %sub3A_16 = arith.subi %sub3A, %scan3A_14 : i32
      %shift_left3A = arith.constant 1 : i32
      %shift_left3A_17 = arith.shli %shift_left3A, %sub3A_16 : i32
      %add3A = vector.broadcast %shift_left3A_17 : i32 to vector<32x1xi32>
      %add3A_18 = arith.addi %scan3A_15, %add3A : vector<32x1xi32>
      %ge3A_19 = vector.broadcast %add3A_18 : vector<32x1xi32> to vector<32x8192xi32>
      %ge3A_20 = arith.cmpi sge, %xor3A_3, %ge3A_19 : vector<32x8192xi32>
      %convert_element_type3A_21 = arith.extui %ge3A_20 : vector<32x8192xi1> to vector<32x8192xi32>
      %reduce_sum3A = arith.constant dense<0> : vector<32xi32>
      %reduce_sum3A_22 = vector.multi_reduction <add>, %convert_element_type3A_21, %reduce_sum3A [1] : vector<32x8192xi32> to vector<32xi32>
      %broadcast_in_dim3A_23 = vector.shape_cast %reduce_sum3A_22 : vector<32xi32> to vector<32x1xi32>
      %ge3A_24 = arith.constant 64 : i32
      %ge3A_25 = vector.broadcast %ge3A_24 : i32 to vector<32x1xi32>
      %ge3A_26 = arith.cmpi sge, %broadcast_in_dim3A_23, %ge3A_25 : vector<32x1xi32>
      %select_n3A = arith.select %ge3A_26, %add3A_18, %scan3A_15 : vector<32x1xi1>, vector<32x1xi32>
      scf.yield %select_n3A : vector<32x1xi32>
    }
    %scan3A_9 = arith.constant 32 : i32
    %ge3A = vector.broadcast %scan3A_8 : vector<32x1xi32> to vector<32x8192xi32>
    %ge3A_10 = arith.cmpi sge, %xor3A_3, %ge3A : vector<32x8192xi32>
    %convert_element_type3A = arith.extui %ge3A_10 : vector<32x8192xi1> to vector<32x8192xi32>
    %convert_element_type3A_11 = arith.sitofp %convert_element_type3A : vector<32x8192xi32> to vector<32x8192xf32>
    %swap3A = arith.constant 0 : index
    %swap3A_12 = arith.constant 0 : index
    %swap3A_13 = vector.load %arg1[%swap3A, %swap3A_12] : memref<32x8192xf32, #tpu.memory_space<vmem>>, vector<32x8192xf32>
    tpu.vector_store %arg1[%swap3A, %swap3A_12], %convert_element_type3A_11 {strides = array<i32>} : memref<32x8192xf32, #tpu.memory_space<vmem>>, vector<32x8192xf32>,
    return
  }
}

module attributes {stable_mosaic.version = 14 : i64} {
  func.func @_encode_kernel(%arg0: memref<64x8192xf32, #tpu.memory_space<vmem>>, %arg1: memref<64x8192xf32, #tpu.memory_space<vmem>>, %arg2: memref<32x8192xi32, #tpu.memory_space<vmem>>, %arg3: memref<32x8192xi32, #tpu.memory_space<vmem>>) attributes {dimension_semantics = [], scalar_prefetch = 0 : i64, scratch_operands = 0 : i64, tpu.core_type = #tpu.core_type<tc>} {
    %get3A = arith.constant 0 : index
    %get3A_0 = arith.constant 0 : index
    %get3A_1 = vector.load %arg1[%get3A, %get3A_0] : memref<64x8192xf32, #tpu.memory_space<vmem>>, vector<64x8192xf32>
    %log3A = math.log %get3A_1 : vector<64x8192xf32>
    %neg3A = arith.constant 0.000000e+00 : f32
    %neg3A_2 = vector.broadcast %neg3A : f32 to vector<64x8192xf32>
    %neg3A_3 = arith.subf %neg3A_2, %log3A : vector<64x8192xf32>
    %log3A_4 = math.log %neg3A_3 : vector<64x8192xf32>
    %neg3A_5 = arith.constant 0.000000e+00 : f32
    %neg3A_6 = vector.broadcast %neg3A_5 : f32 to vector<64x8192xf32>
    %neg3A_7 = arith.subf %neg3A_6, %log3A_4 : vector<64x8192xf32>
    %get3A_8 = arith.constant 0 : index
    %get3A_9 = arith.constant 0 : index
    %get3A_10 = vector.load %arg0[%get3A_8, %get3A_9] : memref<64x8192xf32, #tpu.memory_space<vmem>>, vector<64x8192xf32>
    %add3A = arith.addf %get3A_10, %neg3A_7 : vector<64x8192xf32>
    %bitcast_convert_type3A = tpu.bitcast %add3A : vector<64x8192xf32> -> vector<64x8192xi32>
    %lt3A = arith.constant 0 : i32
    %lt3A_11 = vector.broadcast %lt3A : i32 to vector<64x8192xi32>
    %lt3A_12 = arith.cmpi slt, %bitcast_convert_type3A, %lt3A_11 : vector<64x8192xi32>
    %not3A = arith.constant dense<-1> : vector<64x8192xi32>
    %not3A_13 = arith.xori %bitcast_convert_type3A, %not3A : vector<64x8192xi32>
    %or3A = arith.constant -2147483648 : i32
    %or3A_14 = vector.broadcast %or3A : i32 to vector<64x8192xi32>
    %or3A_15 = arith.ori %bitcast_convert_type3A, %or3A_14 : vector<64x8192xi32>
    %select_n3A = arith.select %lt3A_12, %not3A_13, %or3A_15 : vector<64x8192xi1>, vector<64x8192xi32>
    %slice3A = vector.extract_strided_slice %select_n3A {offsets = [0, 0], sizes = [32, 8192], strides = [1, 1]} : vector<64x8192xi32> to vector<32x8192xi32>
    %swap3A = arith.constant 0 : index
    %swap3A_16 = arith.constant 0 : index
    %swap3A_17 = vector.load %arg2[%swap3A, %swap3A_16] : memref<32x8192xi32, #tpu.memory_space<vmem>>, vector<32x8192xi32>
    tpu.vector_store %arg2[%swap3A, %swap3A_16], %slice3A {strides = array<i32>} : memref<32x8192xi32, #tpu.memory_space<vmem>>, vector<32x8192xi32>,
    %slice3A_18 = vector.extract_strided_slice %select_n3A {offsets = [32, 0], sizes = [32, 8192], strides = [1, 1]} : vector<64x8192xi32> to vector<32x8192xi32>
    %swap3A_19 = arith.constant 0 : index
    %swap3A_20 = arith.constant 0 : index
    %swap3A_21 = vector.load %arg3[%swap3A_19, %swap3A_20] : memref<32x8192xi32, #tpu.memory_space<vmem>>, vector<32x8192xi32>
    tpu.vector_store %arg3[%swap3A_19, %swap3A_20], %slice3A_18 {strides = array<i32>} : memref<32x8192xi32, #tpu.memory_space<vmem>>, vector<32x8192xi32>,
    return
  }
}

</mosaic_0001>

<sc_bundles>
// kernel: kernel.5.cloned.1.call-start
scs
__scs_entry_jumppad:
0x0: {  	(pc) =	sbr.rel $0x88, $3  }
0x1: {  	(tag) =	ssettag $0x0;
	lr =	simm.s32 $0x1  }
0x2: {  	[smem:$0x3FA0] =	sst lr;
	_ =	strace $0xD0000000  }
0x3: {  	_ = 	snop  }
0x4: {  	_ = 	snop  }
0x5: {  	_ = 	snop  }
0x6: {  	_ = 	snop  }
0x7: {  	_ = 	snop  }
__scs_overlays_trampoline_lowered:
0x8: {  	[smem:$0x3FAF] =	sst s0  }
0x9: {  	[smem:$0x3FB0] =	sst s1  }
0xa: {  	[smem:$0x3FB1] =	sst s2  }
0xb: {  	[smem:$0x3FB2] =	sst s3  }
0xc: {  	[smem:$0x3FB3] =	sst s4  }
0xd: {  	[smem:$0x3FB4] =	sst s5  }
0xe: {  	[smem:$0x3FB5] =	sst s6  }
0xf: {  	[smem:$0x3FB6] =	sst s7  }
0x10: {  	[smem:$0x3FB7] =	sst s8  }
0x11: {  	[smem:$0x3FB8] =	sst s9;
	s0 =	simm.s32 @!p0 $0x0  }
0x12: {  	s1 =	sld [smem:$0x3F9E];
	s0 =	simm.s32 @p0 $0x1  }
0x13: {  	[smem:$0x3FB9] =	sst s0;
	s0 =	simm.s32 @!p1 $0x0  }
0x14: {  	s2 =	sld [smem:$0x3F9D];
	s0 =	simm.s32 @p1 $0x1  }
0x15: {  	[smem:$0x3FBA] =	sst s0;
	s0 =	simm.s32 @!p2 $0x0  }
0x16: {  	s3 =	sld [smem:$0x3FDB];
	s0 =	simm.s32 @p2 $0x1  }
0x17: {  	s4 =	simm.s32 $0x1BF5;
	[smem:$0x3FBC] =	sst s0  }
0x18: {  	s0 =	sld [smem:$0x3F9F];
	_ =	swait.ge [sflag:s4], $0x0  }
0x19: {  	s7 =	sld [smem:$0x3FA0]  }
0x1a: {  	s8 =	sadd.s32 $0xFFFFE003, lr  }
0x1b: {  	s9 =	sadd.s32 $0xFFFFFEF7, lr;
	s5 =	simm.s32 $0xFFFFFFFF;
	p2 =	slt.u32 s8, $0xFFFFF086  }
0x1c: {  	p1 =	slt.u32 s9, $0xF7A;
	s5 =	simm.s32 @!p2 $0x0  }
0x1d: {  	s5 =	simm.s32 @p1 $0x1;
	p0 =	seq.s32 s7, s2  }
0x1e: {  	s7 =	smul.u32 @!p0 $0xF7A, s2;
	p2 =	seq.s32 @!p0 s5, $0x0  }
0x1f: {  	s9 =	smul.u32 $0xF7A, s1;
	s8 =	simm.s32 @!p0 $0x1BF5;
	p2 =	por !p2, p0  }
0x20: {  	[sflag:s8] =	ssyncset.s32 @!p0 $0xFFFFF086;
	s6 =	sadd.s32 @!p0 s3, s7;
	s7 =	simm.s32 @!p0 $0x108  }
0x21: {  	s3 =	sadd.s32 s3, s9;
	s6 =	sadd.s32 @!p0 $0x88, s6;
	s7 =	simm.s32 @p2 $0x1082  }
0x22: {  	[simem:s7], [sflag:s8] =	dma.local @!p0 [hbm:s6], $0xF7A  }
0x23: {  	s9 =	sor.u32 $0xD0000000, s2;
	s6 =	simm.s32 $0x108;
	_ =	swait.ge @!p0 [sflag:s8], $0x0  }
0x24: {  	s3 =	sadd.s32 $0x88, s3;
	s6 =	simm.s32 @!p1 $0x1082;
	[sflag:s4] =	ssyncset.s32 $0xFFFFF086  }
0x25: {  	[simem:s6], [sflag:s4] =	dma.local [hbm:s3], $0xF7A  }
0x26: {  	[smem:$0x3FA0] =	sst s1;
	(tag) =	ssettag s2;
	_ =	strace s9  }
0x27: {  	s1 =	sld [smem:$0x3FB0]  }
0x28: {  	s2 =	sld [smem:$0x3FB1]  }
0x29: {  	s4 =	sld [smem:$0x3FB3]  }
0x2a: {  	p0 =	seq.s32 s5, $0x0;
	s5 =	sld [smem:$0x3FB4]  }
0x2b: {  	s6 =	sld [smem:$0x3FB5]  }
0x2c: {  	s7 =	sld [smem:$0x3FB6]  }
0x2d: {  	s3 =	simm.s32 $0x108;
	s8 =	sld [smem:$0x3FB7]  }
0x2e: {  	s3 =	simm.s32 @!p0 $0x1082;
	s9 =	sld [smem:$0x3FB8]  }
0x2f: {  	lr =	sadd.s32 s0, s3;
	s0 =	sld [smem:$0x3FAF]  }
0x30: {  	s3 =	sld [smem:$0x3FB2]  }
0x31: {  	[smem:$0x3FBB] =	sst s10  }
0x32: {  	s10 =	sld [smem:$0x3FB9];
	_ =	sdelay $0x3  }
0x33: {  	p0 =	seq.s32 s10, $0x1;
	s10 =	sld [smem:$0x3FBB];
	_ =	sdelay $0x3  }
0x34: {  	[smem:$0x3FBB] =	sst s10  }
0x35: {  	s10 =	sld [smem:$0x3FBA];
	_ =	sdelay $0x3  }
0x36: {  	p1 =	seq.s32 s10, $0x1;
	s10 =	sld [smem:$0x3FBB];
	_ =	sdelay $0x3  }
0x37: {  	[smem:$0x3FBB] =	sst s10  }
0x38: {  	s10 =	sld [smem:$0x3FBC]  }
0x39: {  	_ = 	snop;
	(pc) =	sbr.ind lr, $3  }
0x3a: {  	_ = 	snop  }
0x3b: {  	_ = 	snop  }
0x3c: {  	p2 =	seq.s32 s10, $0x1;
	s10 =	sld [smem:$0x3FBB]  }
0x3d: {  	_ =	shalt  }
0x3e: {  	_ =	shalt  }
0x3f: {  	_ =	shalt  }
0x40: {  	_ =	shalt  }
0x41: {  	_ =	shalt  }
0x42: {  	_ =	shalt  }
0x43: {  	_ =	shalt  }
0x44: {  	_ =	shalt  }
0x45: {  	_ =	shalt  }
0x46: {  	_ =	shalt  }
0x47: {  	_ =	shalt  }
0x48: {  	_ =	shalt  }
0x49: {  	_ =	shalt  }
0x4a: {  	_ =	shalt  }
0x4b: {  	_ =	shalt  }
0x4c: {  	_ =	shalt  }
0x4d: {  	_ =	shalt  }
0x4e: {  	_ =	shalt  }
0x4f: {  	_ =	shalt  }
0x50: {  	_ =	shalt  }
0x51: {  	_ =	shalt  }
0x52: {  	_ =	shalt  }
0x53: {  	_ =	shalt  }
0x54: {  	_ =	shalt  }
0x55: {  	_ =	shalt  }
0x56: {  	_ =	shalt  }
0x57: {  	_ =	shalt  }
0x58: {  	_ =	shalt  }
0x59: {  	_ =	shalt  }
0x5a: {  	_ =	shalt  }
0x5b: {  	_ =	shalt  }
0x5c: {  	_ =	shalt  }
0x5d: {  	_ =	shalt  }
0x5e: {  	_ =	shalt  }
0x5f: {  	_ =	shalt  }
0x60: {  	_ =	shalt  }
0x61: {  	_ =	shalt  }
0x62: {  	_ =	shalt  }
0x63: {  	_ =	shalt  }
0x64: {  	_ =	shalt  }
0x65: {  	_ =	shalt  }
0x66: {  	_ =	shalt  }
0x67: {  	_ =	shalt  }
0x68: {  	_ =	shalt  }
0x69: {  	_ =	shalt  }
0x6a: {  	_ =	shalt  }
0x6b: {  	_ =	shalt  }
0x6c: {  	_ =	shalt  }
0x6d: {  	_ =	shalt  }
0x6e: {  	_ =	shalt  }
0x6f: {  	_ =	shalt  }
0x70: {  	_ =	shalt  }
0x71: {  	_ =	shalt  }
0x72: {  	_ =	shalt  }
0x73: {  	_ =	shalt  }
0x74: {  	_ =	shalt  }
0x75: {  	_ =	shalt  }
0x76: {  	_ =	shalt  }
0x77: {  	_ =	shalt  }
0x78: {  	_ =	shalt  }
0x79: {  	_ =	shalt  }
0x7a: {  	_ =	shalt  }
0x7b: {  	_ =	shalt  }
0x7c: {  	_ =	shalt  }
0x7d: {  	_ =	shalt  }
0x7e: {  	_ =	shalt  }
0x7f: {  	_ =	shalt  }
0x80: {  	_ =	shalt  }
0x81: {  	_ =	shalt  }
0x82: {  	_ =	shalt  }
0x83: {  	_ =	shalt  }
0x84: {  	_ =	shalt  }
0x85: {  	_ =	shalt  }
0x86: {  	_ =	shalt  }
0x87: {  	_ =	shalt  }
.Lfunc_end0:
.L_simem_size_0:
called_computation_lowered:
.L_overlay_start_0:
0x88: {  	s2 =	sld [smem:$0x3FD9]  }
0x89: {  	s3 =	sld [smem:$0x3FFE];
	_ =	sdelay $0x1  }
0x8a: {  	s1 =	srdreg.scid  }
0x8b: {  	s0 =	sand.u32 $0x1, s1  }
0x8c: {  	s17 =	sshll.u32 s0, $0xA;
	s2 =	sadd.s32 s3, s2  }
0x8d: {  	s2 =	sadd.s32 s2, s17  }
0x8e: {  	[smem:$0x3FC7] =	sst s2  }
0x8f: {  	_ = 	snop  }
0x90: {  	s2 =	sld [smem:$0x3FD0];
	(tm) =	ssettm $0x1  }
0x91: {  	s18 =	sld [smem:$0x3FFB];
	_ =	sdelay $0x3  }
0x92: {  	_ =	strace s18  }
0x93: {  	s3 =	sld [smem:$0x3FFC];
	_ =	sdelay $0x3  }
0x94: {  	_ =	strace s3  }
0x95: {  	s3 =	sld [smem:$0x3FFD];
	_ =	sdelay $0x3  }
0x96: {  	_ =	strace s3  }
0x97: {  	_ =	strace $0x8FFFFFFF  }
0x98: {  	s19 =	sld [smem:$0x3FDB];
	_ =	sdelay $0x1  }
0x99: {  	s4 =	simm.s32 $_scs_section_size  }
0x9a: {  	s5 =	simm.s32 $_size__tile_overlayer_lowered;
	s6 =	simm.s32 $_tile_overlayer_lowered  }
0x9b: {  	s22 =	simm.s32 $0x1BFF;
	s21 =	sshll.u32 s6, $0x1;
	s3 =	sadd.s32 s4, s19  }
0x9c: {  	s7 =	simm.s32 $0x0;
	s20 =	sshll.u32 s5, $0x1;
	s5 =	sadd.s32 s21, s3  }
0x9d: {  	[timem:s7], [sflag:s22] =	dma.local [hbm:s5], s20  }
0x9e: {  	_ =	swait.ge [sflag:s22], s20  }
0x9f: {  	s4 =	ssub.s32 $0x0, s20;
	[sflag:s22] =	ssyncset.done $0x0  }
0xa0: {  	[sflag:s22] =	ssyncadd.s32 s4;
	_ =	sdelay $0x1  }
0xa1: {  	s23 =	simm.s32 $0x1B8B  }
0xa2: {  	_ =	swait.ge [sflag:s23], $0x1  }
0xa3: {  	[sflag:s23] =	ssyncset.done $0x0  }
0xa4: {  	s25 =	simm.s32 $0x1B8E;
	s24 =	sld [smem:$0x3FFE];
	[sflag:s23] =	ssyncadd.s32 $0xFFFFFFFF  }
0xa5: {  	s26 =	simm.s32 $execute0_lowered;
	[smem:$0x3FD2] =	sst s25  }
0xa6: {  	s5 =	sshll.u32 s26, $0x1;
	_ =	strace $0x80000046;
	[dreg:$0x1] =	wrdreg $0xFFFFFFFF  }
0xa7: {  	s28 =	simm.s32 $_size_execute0_lowered;
	s3 =	sadd.s32 s3, s5;
	[dreg:$0x0] =	wrdreg $0x0  }
0xa8: {  	s5 =	sshll.u32 s28, $0x1;
	[dreg:$0x2] =	wrdreg s3  }
0xa9: {  	[dreg:$0x3] =	wrdreg s5  }
0xaa: {  	[dreg:$0x4] =	wrdreg $0xC0  }
0xab: {  	_ =	task [dreg:s7], $0x5FFFF  }
0xac: {  	[dreg:$0x1] =	wrdreg $0xFFFFFFFF  }
0xad: {  	[dreg:$0x0] =	wrdreg $0x60  }
0xae: {  	[dreg:$0x2] =	wrdreg s2  }
0xaf: {  	[dreg:$0x3] =	wrdreg s24  }
0xb0: {  	[dreg:$0x4] =	wrdreg $0x9  }
0xb1: {  	_ =	task.clear_ibuf [dreg:s7], $0x5FFFF;
	_ =	strace $0x90000046  }
0xb2: {  	s29 =	simm.s32 $0x9;
	_ =	strace $0x80000048  }
0xb3: {  	_ =	swait.ge [sflag:s29], $0x1  }
0xb4: {  	[sflag:s29] =	ssyncadd.s32 $0xFFFFFFFF  }
0xb5: {  	_ =	strace $0x90000048  }
0xb6: {  	_ =	sfence  }
0xb7: {  	s30 =	sld [smem:$0x0];
	_ =	sdelay $0x2  }
0xb8: {  	s31 =	sshll.u32 s1, $0xD;
	s1 =	sshrl.u32 s1, $0x2  }
0xb9: {  	s3 =	sand.u32 $0x4000, s31;
	s1 =	sadd.s32 s1, s30  }
0xba: {  	s0 =	sor.u32 s3, s0;
	s1 =	sshll.u32 s1, $0x11  }
0xbb: {  	s0 =	sor.u32 s1, s0  }
0xbc: {  	s0 =	sadd.s32 $0x8F2B, s0  }
0xbd: {  	[sflag:s0] =	ssyncadd.remote.s32 $0x1  }
0xbe: {  	_ =	sfence.sel $0xFFFF  }
0xbf: {  	[dreg:$0x0] =	wrdreg $0xFFFFFFFF;
	(pc) =	sbr.abs _section_cstart, $3  }
0xc0: {  	[dreg:$0x1] =	wrdreg $0xFFFFFFFF  }
0xc1: {  	_ =	task.clear_ibuf [dreg:s7], $0x2FFFF;
	_ =	strace $0x9FFFFFFF  }
0xc2: {  	(tm) =	ssettm $0x7FFFFFFF  }
0xc3: {  	_ =	shalt  }
tec
execute0_lowered:
.L_overlay_start_1:
0x0: {  	(tag) =	ssettag $0x1  }
0x1: {  	s3 =	rddreg [dreg:$0x0]  }
0x2: {  	s4 =	rddreg [dreg:$0x1]  }
0x3: {  	s0 =	rddreg [dreg:$0x2]  }
0x4: {  	s2 =	simm.s32 $0x0;
	s5 =	srdreg.scid;
	s1 =	stileid.u32  }
0x5: {  	s9 =	simm.s32 $0x4000;
	s10 =	simm.s32 $0x2000;
	s11 =	simm.s32 $0x2  }
0x6: {  	s12 =	simm.s32 $0x0;
	[smem:$0x7FF] =	sst s2;
	s5 =	sand.u32 $0x1, s5  }
0x7: {  	s6 =	sshll.u32 s1, $0x5;
	s7 =	sshll.u32 s1, $0xB;
	s8 =	sshll.u32 s5, $0x4  }
0x8: {  	s6 =	sand.u32 $0x60, s6;
	s7 =	sand.u32 $0x6000, s7;
	s5 =	ssub.s32 $0x2, s5  }
0x9: {  	v0 =	vlaneseq.u32;
	_ =	strace $0x80000047;
	s6 =	sor.u32 s8, s6;
	s31 =	sshrl.u32 s5, $0x1  }
0xa: {  	v2 =	vmul.u32 $0xFFFFFFFF, v0;
	s8 =	simm.s32 $0x1;
	s6 =	sor.u32 s7, s6;
	s5 =	ssub.s32 s5, s31  }
0xb: {  	v1 =	vimm.s32 $0x1;
	s7 =	simm.s32 $0x400;
	s4 =	sadd.s32 s6, s4;
	s3 =	sadd.s32 s3, s6  }
0xc: {  	v3 =	vimm.f32 $1.000000000e+00;
	v0 =	vimm.s32 $0x0;
	v2 =	vadd.s32 $0xF, v2;
	s5 =	smax.u32 s5, $0x1;
	s6 =	simm.s32 $0x80;
	s4 =	sadd.s32 $0xC00, s4  }
.LBB2_1:
0xd: {  	[tilespmem:s2], [sflag:$0x1] =	stream.strided.gather [hbm4b:s3+s6], $0x2000, s7, s6, $0x38;
	[tilespmem:$0x4100] =	vst v63  }
0xe: {  	_ =	swait.ge [sflag:s8], $0x2000  }
0xf: {  	[sflag:s8] =	ssyncset.done $0x0  }
0x10: {  	[sflag:s8] =	ssyncadd.s32 $0xFFFFE000  }
0x11: {  	[tilespmem:$0x4000] =	vst v0  }
0x12: {  	[tilespmem:$0x4010] =	vst v0  }
0x13: {  	[tilespmem:$0x4020] =	vst v0  }
0x14: {  	[tilespmem:$0x4030] =	vst v0  }
0x15: {  	[tilespmem:$0x4040] =	vst v0  }
0x16: {  	[tilespmem:$0x4050] =	vst v0  }
0x17: {  	[tilespmem:$0x4060] =	vst v0  }
0x18: {  	[tilespmem:$0x4070] =	vst v0  }
0x19: {  	[tilespmem:$0x4080] =	vst v0  }
0x1a: {  	[tilespmem:$0x4090] =	vst v0  }
0x1b: {  	[tilespmem:$0x40A0] =	vst v0  }
0x1c: {  	[tilespmem:$0x40B0] =	vst v0  }
0x1d: {  	[tilespmem:$0x40C0] =	vst v0  }
0x1e: {  	[tilespmem:$0x40D0] =	vst v0  }
0x1f: {  	[tilespmem:$0x40E0] =	vst v0  }
0x20: {  	s13 =	simm.s32 $0x40;
	[tilespmem:$0x40F0] =	vst v0  }
0x21: {  	v4 =	vld [tilespmem:s13+$0x30]  }
0x22: {  	v5 =	vld [tilespmem:s13+$0xFFFFFFD0]  }
0x23: {  	v6 =	vld [tilespmem:s13+$0xFFFFFFE0]  }
0x24: {  	v7 =	vld [tilespmem:s13+$0xFFFFFFF0]  }
0x25: {  	v8 =	vld [tilespmem:s13+$0x0]  }
0x26: {  	v9 =	vld [tilespmem:s13+$0x10];
	v4 =	vshrl.u32 v4, $0x18  }
0x27: {  	v5 =	vshrl.u32 v5, $0x18  }
0x28: {  	v6 =	vshrl.u32 v6, $0x18  }
0x29: {  	v10 =	vld [tilespmem:s13+$0x20];
	v7 =	vshrl.u32 v7, $0x18  }
0x2a: {  	v11 =	vld [tilespmem:s13+$0xFFFFFFC0];
	v8 =	vshrl.u32 v8, $0x18  }
0x2b: {  	v9 =	vshrl.u32 v9, $0x18;
	[tilespmem:v4+s9+$0x0] =	vst.idx.add.s32.msk $0xffff, v1  }
0x2c: {  	[tilespmem:v5+s9+$0x0] =	vst.idx.add.s32.msk $0xffff, v1  }
0x2d: {  	[tilespmem:v6+s9+$0x0] =	vst.idx.add.s32.msk $0xffff, v1  }
0x2e: {  	[tilespmem:v7+s9+$0x0] =	vst.idx.add.s32.msk $0xffff, v1  }
0x2f: {  	s15 =	simm.s32 $0x0;
	[tilespmem:v8+s9+$0x0] =	vst.idx.add.s32.msk $0xffff, v1  }
0x30: {  	s14 =	simm.s32 $0x40F0;
	s16 =	simm.s32 $0xC0;
	s13 =	simm.s32 $0xF0;
	v5 =	vshrl.u32 v10, $0x18;
	v6 =	vshrl.u32 v11, $0x18;
	[tilespmem:v9+s9+$0x0] =	vst.idx.add.s32.msk $0xffff, v1  }
.LBB2_2:
0x31: {  	v4 =	vld [tilespmem:s16+$0x30];
	s15 =	sadd.s32 $0x8, s15  }
0x32: {  	v7 =	vld [tilespmem:s16+$0xFFFFFFD0];
	p0 =	slt.u32 s15, $0x1F8  }
0x33: {  	v8 =	vld [tilespmem:s16+$0xFFFFFFE0]  }
0x34: {  	v9 =	vld [tilespmem:s16+$0xFFFFFFF0]  }
0x35: {  	v10 =	vld [tilespmem:s16+$0x0]  }
0x36: {  	v11 =	vld [tilespmem:s16+$0x10];
	v4 =	vshrl.u32 v4, $0x18  }
0x37: {  	v7 =	vshrl.u32 v7, $0x18;
	v12 =	vld [tilespmem:s16+$0x20]  }
0x38: {  	v13 =	vld [tilespmem:s16+$0xFFFFFFC0];
	v8 =	vshrl.u32 v8, $0x18  }
0x39: {  	v9 =	vshrl.u32 v9, $0x18;
	[tilespmem:v6+s9+$0x0] =	vst.idx.add.s32.msk $0xffff, v1  }
0x3a: {  	v10 =	vshrl.u32 v10, $0x18;
	[tilespmem:v5+s9+$0x0] =	vst.idx.add.s32.msk $0xffff, v1  }
0x3b: {  	v11 =	vshrl.u32 v11, $0x18;
	[tilespmem:v4+s9+$0x0] =	vst.idx.add.s32.msk $0xffff, v1;
	v4 =	vimm.s32 $0x0  }
.Ltmp0:
0x3c: {  	[tilespmem:v7+s9+$0x0] =	vst.idx.add.s32.msk $0xffff, v1;
	v5 =	vshrl.u32 v12, $0x18;
	(pc) =	sbr.rel @p0 .LBB2_2-.Ltmp0, $4  }
0x3d: {  	v6 =	vshrl.u32 v13, $0x18;
	[tilespmem:v8+s9+$0x0] =	vst.idx.add.s32.msk $0xffff, v1  }
0x3e: {  	[tilespmem:v9+s9+$0x0] =	vst.idx.add.s32.msk $0xffff, v1  }
0x3f: {  	[tilespmem:v10+s9+$0x0] =	vst.idx.add.s32.msk $0xffff, v1  }
0x40: {  	s16 =	sadd.s32 $0x80, s16;
	[tilespmem:v11+s9+$0x0] =	vst.idx.add.s32.msk $0xffff, v1  }
0x41: {  	_ =	sdelay $0x3  }
0x42: {  	[tilespmem:v6+s9+$0x0] =	vst.idx.add.s32.msk $0xffff, v1  }
0x43: {  	[tilespmem:v5+s9+$0x0] =	vst.idx.add.s32.msk $0xffff, v1  }
0x44: {  	v5 =	vld [tilespmem:s14+$0x0];
	_ =	sdelay $0x4  }
0x45: {  	v6 =	vperm.xlane v5, v2;
	_ =	sdelay $0x1  }
0x46: {  	(xrf0) =	vadd.scan.msk.s32 $0xffff, v6  }
0x47: {  	s23 =	simm.s32 $0x40E0  }
0x48: {  	v6 =	vld [tilespmem:s23+$0x0];
	_ =	sdelay $0x3  }
0x49: {  	v7, _, _ =	vpop (xrf0);
	(xrf0) =	vadd.scan.msk.s32 $0xffff, v5  }
0x4a: {  	v5 =	vperm.xlane v6, v2;
	v7 =	vadd.s32 v4, v7  }
0x4b: {  	vm0 =	vgt.s32 v7, $0x3F;
	v7 =	vxor.u32 $0x80000000, v7  }
0x4c: {  	(xrf0) =	vadd.scan.msk.s32 $0xffff, v5;
	v5 =	vsel vm0, $0x80000000, v7  }
0x4d: {  	s24 =	simm.s32 $0x40D0  }
0x4e: {  	v7 =	vld [tilespmem:s24+$0x0]  }
0x4f: {  	(xrf0) =	vmax.scan.msk.u32 $0xffff, v5;
	v5, _, _ =	vpop (xrf0)  }
0x50: {  	v5 =	vbroadcast v5, $0xF;
	_ =	sdelay $0x1  }
0x51: {  	(xrf0) =	vadd.scan.msk.s32 $0xffff, v6;
	v8, _, _ =	vpop (xrf0);
	v6 =	vadd.s32 v4, v5  }
0x52: {  	v9 =	vperm.xlane v7, v2;
	v8 =	vadd.s32 v6, v8  }
0x53: {  	s25 =	simm.s32 $0x40C0;
	vm1 =	vgt.s32 v8, $0x3F;
	v8 =	vxor.u32 $0x80000000, v8  }
0x54: {  	(xrf0) =	vadd.scan.msk.s32 $0xffff, v9;
	v9 =	vld [tilespmem:s25+$0x0];
	v8 =	vsel vm1, $0x80000000, v8  }
0x55: {  	v5, _, _ =	vpop (xrf0)  }
0x56: {  	(v2sf) =	vpush v5, $0xF;
	v5 =	vmov s13  }
0x57: {  	v10 =	vmctz.xlane vm0;
	v5 =	vadd.s32 $0xF, v5;
	(xrf0) =	vmax.scan.msk.u32 $0xffff, v8;
	v8, _, _ =	vpop (xrf0)  }
0x58: {  	v5 =	vbroadcast v5, $0x0;
	v8 =	vbroadcast v8, $0xF  }
0x59: {  	s26 =	simm.s32 $0xE0;
	(xrf0) =	vadd.scan.msk.s32 $0xffff, v7;
	v11 =	vperm.xlane v9, v2  }
0x5a: {  	s28 =	simm.s32 $0xD0;
	v7 =	vmov s26;
	v10 =	vsub.s32 v5, v10;
	v12, _, _ =	vpop (xrf0);
	v5 =	vadd.s32 v6, v8  }
0x5b: {  	v7 =	vadd.s32 $0xF, v7;
	(xrf0) =	vadd.scan.msk.s32 $0xffff, v11;
	v11 =	vmov s28;
	v12 =	vadd.s32 v5, v12  }
0x5c: {  	v11 =	vadd.s32 $0xF, v11;
	vm2 =	vgt.s32 v12, $0x3F;
	v12 =	vxor.u32 $0x80000000, v12  }
0x5d: {  	v7 =	vbroadcast v7, $0x0;
	v8 =	vmctz.xlane vm1;
	v14 =	vsel vm2, $0x80000000, v12  }
0x5e: {  	v13, _, _ =	vpop (xrf0);
	(xrf0) =	vmax.scan.msk.u32 $0xffff, v14;
	v14 =	vmctz.xlane vm2  }
0x5f: {  	v8 =	vsub.s32 v7, v8;
	v7 =	vbroadcast v11, $0x0;
	v11, _, _ =	vpop (xrf0)  }
0x60: {  	v11 =	vbroadcast v11, $0xF  }
0x61: {  	s29 =	simm.s32 $0x40B0;
	(v2sf) =	vpush v13, $0xF  }
0x62: {  	vm0 =	vmmov vm0;
	v12 =	vld [tilespmem:s29+$0x0];
	v7 =	vsub.s32 v7, v14;
	v13 =	vadd.s32 v5, v11;
	v14, _, _ =	vpop (xrf0)  }
0x63: {  	s30 =	simm.s32 $0xC0;
	vm0 =	vmmov vm0;
	v11 =	vadd.s32 v13, v14  }
0x64: {  	v15 =	vmov s30;
	vm0 =	vmmov vm0  }
0x65: {  	(xrf0) =	vadd.scan.msk.s32 $0xffff, v9;
	v9 =	vadd.s32 $0xF, v15;
	v15 =	vmpcnt.ones.xlane vm0  }
0x66: {  	v14 =	vbroadcast v9, $0x0;
	vm0 =	vgt.s32 v11, $0x3F;
	v9 =	vxor.u32 $0x80000000, v11;
	v11, _, _ =	vpop (xrf0)  }
0x67: {  	v16 =	vperm.xlane v12, v2;
	s31 =	spop (v2sf);
	(v2sf) =	vpush v11, $0xF  }
0x68: {  	vm1 =	vmmov vm1  }
0x69: {  	vm4 =	veq.s32 v4, $0x0;
	vm3 =	vmmov vm1;
	s13 =	sxor.u32 $0x80000000, s31;
	(xrf0) =	vadd.scan.msk.s32 $0xffff, v16  }
0x6a: {  	s15 =	simm.s32 $0x40A0;
	vm1 =	vgt.s32 v15, $0x0;
	v15 =	vmov s13;
	v9 =	vsel vm0, $0x80000000, v9  }
0x6b: {  	vm2 =	vmmov vm2;
	vm4 =	vmand vm4, vm1;
	vm5 =	vgt.s32 v15, v4;
	v15 =	vld [tilespmem:s15+$0x0]  }
0x6c: {  	v16 =	vmctz.xlane vm0;
	v10 =	vsel vm4, v10, v4;
	v11 =	vsel vm5, s13, v4;
	v17, _, _ =	vpop (xrf0);
	(xrf0) =	vmax.scan.msk.u32 $0xffff, v9  }
0x6d: {  	s16 =	simm.s32 $0x90;
	s14 =	simm.s32 $0xB0;
	s13 =	simm.s32 $0xA0;
	v11 =	vsel vm4, v11, v4;
	vm4 =	vmmov vm3;
	v9 =	vmovc v13;
	v17 =	vbroadcast v17, $0xF  }
.LBB2_4:
0x6e: {  	p0 =	sne.s32 s16, $0x0;
	v18 =	vmov s14;
	v19 =	vsub.s32 v14, v16;
	vm3 =	vmmov vm2;
	s14 =	smov.u32 s13;
	s13 =	smov.u32 s16  }
0x6f: {  	vm2 =	vmmov vm0;
	v14 =	vadd.s32 $0xF, v18;
	v16, _, _ =	vpop (xrf0);
	(xrf0) =	vadd.scan.msk.s32 $0xffff, v12;
	v13 =	vadd.s32 v13, v17  }
0x70: {  	v18 =	vmpcnt.ones.xlane vm4;
	v17 =	vperm.xlane v15, v2;
	v16 =	vadd.s32 v13, v16;
	s17 =	spop (v2sf);
	v12 =	vmovc v15  }
0x71: {  	v14 =	vbroadcast v14, $0x0;
	vm0 =	vgt.s32 v16, $0x3F;
	v16 =	vxor.u32 $0x80000000, v16;
	s17 =	sxor.u32 $0x80000000, s17  }
.Ltmp1:
0x72: {  	v4 =	vsel vm1, $0x1, v4;
	vm1 =	vgt.s32 v18, $0x0;
	(xrf0) =	vadd.scan.msk.s32 $0xffff, v17;
	v15, _, _ =	vpop (xrf0);
	v17 =	vmov s17;
	(pc) =	sbr.rel @p0 .LBB2_4-.Ltmp1, $4  }
0x73: {  	s15 =	sadd.s32 $0xFFFFFFF0, s15;
	vm4 =	veq.s32 v4, $0x0;
	(v2sf) =	vpush v15, $0xF;
	vm5 =	vgt.s32 v17, v6  }
0x74: {  	vm4 =	vmand vm4, vm1;
	v17 =	vsel vm0, $0x80000000, v16;
	v15 =	vld [tilespmem:s15+$0x0];
	v18 =	vsel vm5, s17, v6;
	v6 =	vmovc v5;
	v5 =	vmovc v9  }
0x75: {  	v16 =	vmctz.xlane vm0;
	v10 =	vsel vm4, v8, v10;
	(xrf0) =	vmax.scan.msk.u32 $0xffff, v17;
	v9, _, _ =	vpop (xrf0);
	v11 =	vsel vm4, v18, v11  }
0x76: {  	s16 =	sadd.s32 $0xFFFFFFF0, s16;
	v8 =	vmovc v7;
	v7 =	vmovc v19;
	vm4 =	vmmov vm3;
	v17 =	vbroadcast v9, $0xF;
	v9 =	vmov v13  }
0x77: {  	_ =	sdelay $0x1  }
0x78: {  	(xrf0) =	vadd.scan.msk.s32 $0xffff, v12;
	v12 =	vperm.xlane v15, v2;
	_ =	sdelay $0x3  }
0x79: {  	v13 =	vadd.s32 v13, v17;
	(xrf0) =	vadd.scan.msk.s32 $0xffff, v12;
	v12, _, _ =	vpop (xrf0)  }
0x7a: {  	v12 =	vadd.s32 v13, v12  }
0x7b: {  	v61, _, _ =	vpop (xrf0);
	vm5 =	vgt.s32 v12, $0x3F;
	v12 =	vxor.u32 $0x80000000, v12  }
0x7c: {  	v18, _, _ =	vpop (xrf0);
	v12 =	vsel vm5, $0x80000000, v12  }
0x7d: {  	v18 =	vbroadcast v18, $0xF  }
0x7e: {  	(xrf0) =	vmax.scan.msk.u32 $0xffff, v12  }
0x7f: {  	v18 =	vadd.s32 v13, v18;
	v12, _, _ =	vpop (xrf0)  }
0x80: {  	v12 =	vadd.s32 v18, v12  }
0x81: {  	vm3 =	vgt.s32 v12, $0x3F;
	v12 =	vxor.u32 $0x80000000, v12  }
0x82: {  	(v2sf) =	vpush v61, $0xF;
	(xrf0) =	vadd.scan.msk.s32 $0xffff, v15;
	v12 =	vsel vm3, $0x80000000, v12  }
0x83: {  	s15 =	spop (v2sf);
	(xrf0) =	vmax.scan.msk.u32 $0xffff, v12  }
0x84: {  	v14 =	vsub.s32 v14, v16;
	s24 =	sxor.u32 $0x80000000, s15;
	v15 =	vmpcnt.ones.xlane vm4;
	v63, _, _ =	vpop (xrf0)  }
0x85: {  	vm2 =	vmmov vm2;
	v62 =	vmov s24;
	(v2sf) =	vpush v63, $0xF  }
0x86: {  	v4 =	vsel vm1, $0x1, v4;
	[tilespmem:$0x4000] =	vst v0;
	vm0 =	vmmov vm0;
	vm1 =	vgt.s32 v62, v6  }
0x87: {  	[tilespmem:$0x4010] =	vst v0;
	v6 =	vsel vm1, s24, v6;
	vm1 =	veq.s32 v4, $0x0;
	vm4 =	vgt.s32 v15, $0x0  }
0x88: {  	[tilespmem:$0x4020] =	vst v0;
	vm0 =	vmmov vm0;
	vm1 =	vmand vm1, vm4;
	v12 =	vmov s14;
	v15, _, _ =	vpop (xrf0)  }
0x89: {  	[tilespmem:$0x4030] =	vst v0;
	vm0 =	vmmov vm0;
	v8 =	vsel vm1, v8, v10;
	v12 =	vadd.s32 $0xF, v12;
	v10, _, _ =	vpop (xrf0)  }
0x8a: {  	[tilespmem:$0x4040] =	vst v0;
	s25 =	spop (v2sf);
	v12 =	vbroadcast v12, $0x0;
	v15 =	vmctz.xlane vm5;
	(v2sf) =	vpush v10, $0xF  }
0x8b: {  	[tilespmem:$0x4050] =	vst v0;
	s26 =	sxor.u32 $0x80000000, s25;
	v4 =	vsel vm4, $0x1, v4;
	v6 =	vsel vm1, v6, v11;
	vm1 =	vmmov vm2  }
0x8c: {  	[tilespmem:$0x4060] =	vst v0;
	v11 =	vsub.s32 v12, v15;
	v12 =	vmpcnt.ones.xlane vm1;
	v15 =	vmov s26  }
0x8d: {  	[tilespmem:$0x4070] =	vst v0;
	vm2 =	vmmov vm5;
	vm4 =	veq.s32 v4, $0x0;
	vm13 =	vgt.s32 v15, v5  }
0x8e: {  	[tilespmem:$0x4080] =	vst v0;
	vm1 =	vgt.s32 v12, $0x0;
	v12 =	vmctz.xlane vm3;
	v5 =	vsel vm13, s26, v5  }
0x8f: {  	[tilespmem:$0x4090] =	vst v0;
	v10 =	vmov s13;
	vm4 =	vmand vm4, vm1;
	v4 =	vsel vm1, $0x1, v4  }
0x90: {  	[tilespmem:$0x40A0] =	vst v0;
	v10 =	vadd.s32 $0xF, v10;
	v7 =	vsel vm4, v7, v8;
	v8 =	vmpcnt.ones.xlane vm0  }
0x91: {  	[tilespmem:$0x40B0] =	vst v0;
	s28 =	spop (v2sf);
	v5 =	vsel vm4, v5, v6;
	vm0 =	vmmov vm2;
	v10 =	vbroadcast v10, $0x0  }
0x92: {  	[tilespmem:$0x40C0] =	vst v0;
	vm2 =	vmmov vm3;
	s13 =	sxor.u32 $0x80000000, s28;
	vm1 =	veq.s32 v4, $0x0;
	vm0 =	vmmov vm0  }
0x93: {  	[tilespmem:$0x40D0] =	vst v0;
	vm3 =	vgt.s32 v8, $0x0;
	v8 =	vmov s13;
	v6 =	vsub.s32 v10, v12  }
0x94: {  	[tilespmem:$0x40E0] =	vst v0;
	vm14 =	vgt.s32 v8, v9;
	v8 =	vmpcnt.ones.xlane vm0;
	vm0 =	vmmov vm2;
	s29 =	spop (v2sf)  }
0x95: {  	[tilespmem:$0x40F0] =	vst v0;
	s30 =	simm.s32 $0x40;
	v4 =	vsel vm3, $0x1, v4;
	v9 =	vsel vm14, s13, v9;
	vm0 =	vmmov vm0;
	s13 =	sxor.u32 $0x80000000, s29  }
0x96: {  	vm2 =	vgt.s32 v8, $0x0;
	v8 =	vld [tilespmem:s30+$0xFFFFFFC0];
	v12 =	vmpcnt.ones.xlane vm0;
	v10 =	vmov s13  }
0x97: {  	vm1 =	vmand vm1, vm3;
	vm3 =	veq.s32 v4, $0x0;
	vm0 =	vgt.s32 v10, v13  }
0x98: {  	v4 =	vsel vm2, $0x1, v4;
	v10 =	vsel vm0, s13, v13;
	vm0 =	vgt.s32 v12, $0x0;
	v12 =	vld [tilespmem:s30+$0xFFFFFFE0]  }
0x99: {  	v7 =	vsel vm1, v14, v7;
	vm3 =	vmand vm3, vm2;
	vm2 =	veq.s32 v4, $0x0;
	s31 =	spop (v2sf)  }
0x9a: {  	v4 =	vsel vm1, v9, v5;
	v5 =	vsel vm3, v11, v7;
	vm0 =	vmand vm2, vm0;
	s13 =	sxor.u32 $0x80000000, s31  }
0x9b: {  	v11 =	vld [tilespmem:s30+$0xFFFFFFF0];
	v5 =	vsel vm0, v6, v5;
	v6 =	vshrl.u32 v8, $0x18;
	v7 =	vmov s13  }
0x9c: {  	v13 =	vld [tilespmem:s30+$0x20];
	v4 =	vsel vm3, v10, v4;
	vm15 =	veq.s32 v6, v5;
	vm1 =	vgt.s32 v7, v18  }
0x9d: {  	v7 =	vshrl.u32 v8, $0x10;
	v9 =	vshrl.u32 v12, $0x18;
	v10 =	vshrl.u32 v12, $0x10  }
0x9e: {  	v14 =	vld [tilespmem:s30+$0x30];
	v6 =	vsel vm1, s13, v18;
	v8 =	vand.u32 $0xFF, v7;
	vm2 =	veq.s32 v9, v5  }
0x9f: {  	v9 =	vand.u32 $0xFF, v10;
	v4 =	vsel vm0, v6, v4;
	v6 =	vld [tilespmem:s30+$0xFFFFFFD0];
	_ =	sdelay $0x1  }
0xa0: {  	v12 =	vshrl.u32 v13, $0x18;
	v7 =	vshrl.u32 v11, $0x10;
	v11 =	vshrl.u32 v11, $0x18;
	v10 =	vld [tilespmem:s30+$0x10]  }
0xa1: {  	v13 =	vshrl.u32 v13, $0x10;
	vm1 =	veq.s32 v12, v5;
	vm0 =	veq.s32 v11, v5;
	v11 =	vld [tilespmem:s30+$0x0]  }
0xa2: {  	s14 =	simm.s32 $0xC0;
	s13 =	simm.s32 $0x0;
	v12 =	vshrl.u32 v14, $0x10;
	[tilespmem:v8+s9+$0x0] =	vst.idx.add.s32.msk vm15, v1;
	v8 =	vand.u32 $0xFF, v13;
	v13 =	vshrl.u32 v14, $0x18  }
.LBB2_6:
0xa3: {  	s13 =	sadd.s32 $0x8, s13;
	v14 =	vshrl.u32 v6, $0x18;
	[tilespmem:v9+s9+$0x0] =	vst.idx.add.s32.msk vm2, v1;
	vm3 =	veq.s32 v13, v5  }
0xa4: {  	v6 =	vshrl.u32 v6, $0x10;
	v9 =	vand.u32 $0xFF, v7;
	v13 =	vld [tilespmem:s14+$0xFFFFFFF0];
	p0 =	slt.u32 s13, $0x1F8;
	vm4 =	veq.s32 v14, v5  }
0xa5: {  	v12 =	vand.u32 $0xFF, v12;
	v15 =	vand.u32 $0xFF, v6;
	v14 =	vld [tilespmem:s14+$0xFFFFFFE0];
	v6 =	vshrl.u32 v10, $0x18  }
0xa6: {  	v10 =	vshrl.u32 v10, $0x10;
	v16 =	vld [tilespmem:s14+$0xFFFFFFC0];
	v7 =	vshrl.u32 v11, $0x18;
	vm5 =	veq.s32 v6, v5  }
0xa7: {  	v6 =	vshrl.u32 v11, $0x10;
	v10 =	vand.u32 $0xFF, v10;
	v17 =	vld [tilespmem:s14+$0x30];
	vm6 =	veq.s32 v7, v5  }
0xa8: {  	v11 =	vand.u32 $0xFF, v6;
	v18 =	vld [tilespmem:s14+$0x20]  }
0xa9: {  	v6 =	vld [tilespmem:s14+$0xFFFFFFD0];
	v7 =	vshrl.u32 v13, $0x10  }
0xaa: {  	[tilespmem:v9+s9+$0x0] =	vst.idx.add.s32.msk vm0, v1  }
0xab: {  	v19 =	vshrl.u32 v14, $0x10;
	v14 =	vshrl.u32 v14, $0x18;
	v9 =	vshrl.u32 v16, $0x18;
	[tilespmem:v8+s9+$0x0] =	vst.idx.add.s32.msk vm1, v1  }
0xac: {  	v8 =	vshrl.u32 v16, $0x10;
	vm2 =	veq.s32 v14, v5;
	vm7 =	veq.s32 v9, v5;
	[tilespmem:v10+s9+$0x0] =	vst.idx.add.s32.msk vm5, v1  }
0xad: {  	v8 =	vand.u32 $0xFF, v8;
	v9 =	vand.u32 $0xFF, v19;
	[tilespmem:v11+s9+$0x0] =	vst.idx.add.s32.msk vm6, v1  }
.Ltmp2:
0xae: {  	v10 =	vshrl.u32 v13, $0x18;
	[tilespmem:v12+s9+$0x0] =	vst.idx.add.s32.msk vm3, v1;
	(pc) =	sbr.rel @p0 .LBB2_6-.Ltmp2, $4  }
0xaf: {  	vm0 =	veq.s32 v10, v5;
	[tilespmem:v15+s9+$0x0] =	vst.idx.add.s32.msk vm4, v1  }
0xb0: {  	v12 =	vshrl.u32 v18, $0x18;
	v10 =	vld [tilespmem:s14+$0x10]  }
0xb1: {  	v13 =	vshrl.u32 v18, $0x10;
	vm1 =	veq.s32 v12, v5;
	v11 =	vld [tilespmem:s14+$0x0]  }
0xb2: {  	v12 =	vshrl.u32 v17, $0x10;
	s14 =	sadd.s32 $0x80, s14;
	[tilespmem:v8+s9+$0x0] =	vst.idx.add.s32.msk vm7, v1;
	v8 =	vand.u32 $0xFF, v13;
	v13 =	vshrl.u32 v17, $0x18  }
0xb3: {  	_ =	sdelay $0x3  }
0xb4: {  	v7 =	vand.u32 $0xFF, v7;
	vm5 =	veq.s32 v13, v5  }
0xb5: {  	[tilespmem:v9+s9+$0x0] =	vst.idx.add.s32.msk vm2, v1;
	v9 =	vand.u32 $0xFF, v12;
	v14 =	vshrl.u32 v10, $0x18;
	v10 =	vshrl.u32 v10, $0x10  }
0xb6: {  	v15 =	vshrl.u32 v11, $0x18;
	vm3 =	veq.s32 v14, v5;
	v11 =	vshrl.u32 v11, $0x10  }
0xb7: {  	v10 =	vand.u32 $0xFF, v10;
	v14 =	vshrl.u32 v6, $0x18;
	vm4 =	veq.s32 v15, v5  }
0xb8: {  	v6 =	vshrl.u32 v6, $0x10;
	v11 =	vand.u32 $0xFF, v11;
	vm2 =	veq.s32 v14, v5  }
0xb9: {  	[tilespmem:v8+s9+$0x0] =	vst.idx.add.s32.msk vm1, v1;
	v6 =	vand.u32 $0xFF, v6  }
0xba: {  	[tilespmem:v7+s9+$0x0] =	vst.idx.add.s32.msk vm0, v1  }
0xbb: {  	[tilespmem:v9+s9+$0x0] =	vst.idx.add.s32.msk vm5, v1  }
0xbc: {  	[tilespmem:v10+s9+$0x0] =	vst.idx.add.s32.msk vm3, v1  }
0xbd: {  	[tilespmem:v11+s9+$0x0] =	vst.idx.add.s32.msk vm4, v1  }
0xbe: {  	s13 =	simm.s32 $0x40F0;
	[tilespmem:v6+s9+$0x0] =	vst.idx.add.s32.msk vm2, v1  }
0xbf: {  	v7 =	vld [tilespmem:s13+$0x0];
	_ =	sdelay $0x4  }
0xc0: {  	v6 =	vperm.xlane v7, v2;
	_ =	sdelay $0x1  }
0xc1: {  	(xrf0) =	vadd.scan.msk.s32 $0xffff, v6  }
0xc2: {  	s23 =	simm.s32 $0x40E0  }
0xc3: {  	v8 =	vld [tilespmem:s23+$0x0];
	_ =	sdelay $0x3  }
0xc4: {  	v6 =	vimm.s32 $0x0;
	v9, _, _ =	vpop (xrf0);
	(xrf0) =	vadd.scan.msk.s32 $0xffff, v7  }
0xc5: {  	v4 =	vsub.s32 $0x40, v4;
	v7 =	vperm.xlane v8, v2;
	v9 =	vadd.s32 v6, v9  }
0xc6: {  	vm0 =	vge.s32 v9, v4;
	v9 =	vxor.u32 $0x80000000, v9  }
0xc7: {  	(xrf0) =	vadd.scan.msk.s32 $0xffff, v7;
	v7 =	vsel vm0, $0x80000000, v9  }
0xc8: {  	s24 =	simm.s32 $0x40D0  }
0xc9: {  	v9 =	vld [tilespmem:s24+$0x0]  }
0xca: {  	(xrf0) =	vmax.scan.msk.u32 $0xffff, v7;
	v7, _, _ =	vpop (xrf0)  }
0xcb: {  	v7 =	vbroadcast v7, $0xF;
	_ =	sdelay $0x1  }
0xcc: {  	(xrf0) =	vadd.scan.msk.s32 $0xffff, v8;
	v10, _, _ =	vpop (xrf0);
	v8 =	vadd.s32 v6, v7  }
0xcd: {  	v11 =	vperm.xlane v9, v2;
	v10 =	vadd.s32 v8, v10  }
0xce: {  	s25 =	simm.s32 $0x40C0;
	vm1 =	vge.s32 v10, v4;
	v10 =	vxor.u32 $0x80000000, v10  }
0xcf: {  	(xrf0) =	vadd.scan.msk.s32 $0xffff, v11;
	v11 =	vld [tilespmem:s25+$0x0];
	v10 =	vsel vm1, $0x80000000, v10  }
0xd0: {  	s14 =	simm.s32 $0xF0;
	v7, _, _ =	vpop (xrf0)  }
0xd1: {  	(v2sf) =	vpush v7, $0xF;
	v7 =	vmov s14  }
0xd2: {  	v12 =	vmctz.xlane vm0;
	v7 =	vadd.s32 $0xF, v7;
	(xrf0) =	vmax.scan.msk.u32 $0xffff, v10;
	v10, _, _ =	vpop (xrf0)  }
0xd3: {  	v7 =	vbroadcast v7, $0x0;
	v10 =	vbroadcast v10, $0xF  }
0xd4: {  	s26 =	simm.s32 $0xE0;
	(xrf0) =	vadd.scan.msk.s32 $0xffff, v9;
	v13 =	vperm.xlane v11, v2  }
0xd5: {  	s28 =	simm.s32 $0xD0;
	v9 =	vmov s26;
	v12 =	vsub.s32 v7, v12;
	v14, _, _ =	vpop (xrf0);
	v7 =	vadd.s32 v8, v10  }
0xd6: {  	v9 =	vadd.s32 $0xF, v9;
	(xrf0) =	vadd.scan.msk.s32 $0xffff, v13;
	v13 =	vmov s28;
	v14 =	vadd.s32 v7, v14  }
0xd7: {  	v13 =	vadd.s32 $0xF, v13;
	vm2 =	vge.s32 v14, v4;
	v14 =	vxor.u32 $0x80000000, v14  }
0xd8: {  	v9 =	vbroadcast v9, $0x0;
	v10 =	vmctz.xlane vm1;
	v16 =	vsel vm2, $0x80000000, v14  }
0xd9: {  	v15, _, _ =	vpop (xrf0);
	(xrf0) =	vmax.scan.msk.u32 $0xffff, v16;
	v16 =	vmctz.xlane vm2  }
0xda: {  	v10 =	vsub.s32 v9, v10;
	v9 =	vbroadcast v13, $0x0;
	v13, _, _ =	vpop (xrf0)  }
0xdb: {  	v13 =	vbroadcast v13, $0xF  }
0xdc: {  	s29 =	simm.s32 $0x40B0;
	(v2sf) =	vpush v15, $0xF  }
0xdd: {  	v14 =	vld [tilespmem:s29+$0x0];
	v9 =	vsub.s32 v9, v16;
	v15 =	vadd.s32 v7, v13;
	v16, _, _ =	vpop (xrf0)  }
0xde: {  	s30 =	simm.s32 $0xC0;
	v13 =	vadd.s32 v15, v16  }
0xdf: {  	v17 =	vmov s30;
	vm0 =	vmmov vm0;
	vm1 =	vmmov vm1  }
0xe0: {  	vm0 =	vmmov vm0;
	vm3 =	vmmov vm1;
	(xrf0) =	vadd.scan.msk.s32 $0xffff, v11;
	v11 =	vadd.s32 $0xF, v17  }
0xe1: {  	v16 =	vbroadcast v11, $0x0;
	vm1 =	vge.s32 v13, v4;
	v11 =	vxor.u32 $0x80000000, v13;
	v13, _, _ =	vpop (xrf0)  }
0xe2: {  	vm0 =	vmmov vm0;
	v18 =	vperm.xlane v14, v2;
	s31 =	spop (v2sf);
	(v2sf) =	vpush v13, $0xF  }
0xe3: {  	v17 =	vmpcnt.ones.xlane vm0  }
0xe4: {  	vm4 =	veq.s32 v6, $0x0;
	s13 =	sxor.u32 $0x80000000, s31;
	(xrf0) =	vadd.scan.msk.s32 $0xffff, v18  }
0xe5: {  	s15 =	simm.s32 $0x40A0;
	vm0 =	vgt.s32 v17, $0x0;
	v17 =	vmov s13;
	v11 =	vsel vm1, $0x80000000, v11  }
0xe6: {  	vm2 =	vmmov vm2;
	vm4 =	vmand vm4, vm0;
	vm5 =	vgt.s32 v17, v6;
	v17 =	vld [tilespmem:s15+$0x0]  }
0xe7: {  	v18 =	vmctz.xlane vm1;
	v12 =	vsel vm4, v12, v6;
	v13 =	vsel vm5, s13, v6;
	v19, _, _ =	vpop (xrf0);
	(xrf0) =	vmax.scan.msk.u32 $0xffff, v11  }
0xe8: {  	s16 =	simm.s32 $0x90;
	s14 =	simm.s32 $0xB0;
	s13 =	simm.s32 $0xA0;
	v13 =	vsel vm4, v13, v6;
	vm4 =	vmmov vm3;
	v11 =	vmovc v15;
	v19 =	vbroadcast v19, $0xF  }
.LBB2_8:
0xe9: {  	p0 =	sne.s32 s16, $0x0;
	v20 =	vmov s14;
	v21 =	vsub.s32 v16, v18;
	vm3 =	vmmov vm2;
	s14 =	smov.u32 s13;
	s13 =	smov.u32 s16  }
0xea: {  	vm2 =	vmmov vm1;
	v16 =	vadd.s32 $0xF, v20;
	v18, _, _ =	vpop (xrf0);
	(xrf0) =	vadd.scan.msk.s32 $0xffff, v14;
	v15 =	vadd.s32 v15, v19  }
0xeb: {  	v20 =	vmpcnt.ones.xlane vm4;
	v19 =	vperm.xlane v17, v2;
	v18 =	vadd.s32 v15, v18;
	s17 =	spop (v2sf);
	v14 =	vmovc v17  }
0xec: {  	v16 =	vbroadcast v16, $0x0;
	vm1 =	vge.s32 v18, v4;
	v18 =	vxor.u32 $0x80000000, v18;
	s17 =	sxor.u32 $0x80000000, s17  }
.Ltmp3:
0xed: {  	v6 =	vsel vm0, $0x1, v6;
	vm0 =	vgt.s32 v20, $0x0;
	(xrf0) =	vadd.scan.msk.s32 $0xffff, v19;
	v17, _, _ =	vpop (xrf0);
	v19 =	vmov s17;
	(pc) =	sbr.rel @p0 .LBB2_8-.Ltmp3, $4  }
0xee: {  	s15 =	sadd.s32 $0xFFFFFFF0, s15;
	vm4 =	veq.s32 v6, $0x0;
	(v2sf) =	vpush v17, $0xF;
	vm5 =	vgt.s32 v19, v8  }
0xef: {  	vm4 =	vmand vm4, vm0;
	v19 =	vsel vm1, $0x80000000, v18;
	v17 =	vld [tilespmem:s15+$0x0];
	v20 =	vsel vm5, s17, v8;
	v8 =	vmovc v7;
	v7 =	vmovc v11  }
0xf0: {  	v18 =	vmctz.xlane vm1;
	v12 =	vsel vm4, v10, v12;
	(xrf0) =	vmax.scan.msk.u32 $0xffff, v19;
	v11, _, _ =	vpop (xrf0);
	v13 =	vsel vm4, v20, v13  }
0xf1: {  	s16 =	sadd.s32 $0xFFFFFFF0, s16;
	v10 =	vmovc v9;
	v9 =	vmovc v21;
	vm4 =	vmmov vm3;
	v19 =	vbroadcast v11, $0xF;
	v11 =	vmov v15  }
0xf2: {  	_ =	sdelay $0x1  }
0xf3: {  	(xrf0) =	vadd.scan.msk.s32 $0xffff, v14;
	v14 =	vperm.xlane v17, v2;
	_ =	sdelay $0x3  }
0xf4: {  	v15 =	vadd.s32 v15, v19;
	(xrf0) =	vadd.scan.msk.s32 $0xffff, v14;
	v14, _, _ =	vpop (xrf0)  }
0xf5: {  	v14 =	vadd.s32 v15, v14  }
0xf6: {  	v54, _, _ =	vpop (xrf0);
	vm5 =	vge.s32 v14, v4;
	v14 =	vxor.u32 $0x80000000, v14  }
0xf7: {  	v20, _, _ =	vpop (xrf0);
	v14 =	vsel vm5, $0x80000000, v14  }
0xf8: {  	v20 =	vbroadcast v20, $0xF;
	_ =	sdelay $0x1  }
0xf9: {  	(xrf0) =	vmax.scan.msk.u32 $0xffff, v14;
	v20 =	vadd.s32 v15, v20;
	v14, _, _ =	vpop (xrf0)  }
0xfa: {  	v14 =	vadd.s32 v20, v14  }
0xfb: {  	(v2sf) =	vpush v54, $0xF;
	vm3 =	vge.s32 v14, v4;
	v14 =	vxor.u32 $0x80000000, v14  }
0xfc: {  	(xrf0) =	vadd.scan.msk.s32 $0xffff, v17;
	v14 =	vsel vm3, $0x80000000, v14  }
0xfd: {  	v55 =	vmov s14;
	s25 =	spop (v2sf);
	vm2 =	vmmov vm2;
	v58 =	vmpcnt.ones.xlane vm4;
	(xrf0) =	vmax.scan.msk.u32 $0xffff, v14  }
0xfe: {  	vm1 =	vmmov vm1;
	v6 =	vsel vm0, $0x1, v6;
	v56 =	vadd.s32 $0xF, v55;
	s14 =	sxor.u32 $0x80000000, s25  }
0xff: {  	[tilespmem:$0x4000] =	vst v0;
	vm1 =	vmmov vm1;
	v59 =	vmov s14;
	vm4 =	vgt.s32 v58, $0x0;
	v57, _, _ =	vpop (xrf0)  }
0x100: {  	[tilespmem:$0x4010] =	vst v0;
	vm1 =	vmmov vm1;
	vm0 =	vgt.s32 v59, v8;
	(v2sf) =	vpush v57, $0xF  }
0x101: {  	[tilespmem:$0x4020] =	vst v0;
	v8 =	vsel vm0, s14, v8;
	vm0 =	veq.s32 v6, $0x0;
	v6 =	vsel vm4, $0x1, v6  }
0x102: {  	[tilespmem:$0x4030] =	vst v0;
	v62 =	vmpcnt.ones.xlane vm1;
	vm0 =	vmand vm0, vm4;
	vm4 =	veq.s32 v6, $0x0;
	v61, _, _ =	vpop (xrf0)  }
0x103: {  	[tilespmem:$0x4040] =	vst v0;
	v10 =	vsel vm0, v10, v12;
	v8 =	vsel vm0, v8, v13;
	vm0 =	vmmov vm2;
	v12, _, _ =	vpop (xrf0)  }
0x104: {  	[tilespmem:$0x4050] =	vst v0;
	v13 =	vmov s13;
	v60 =	vmctz.xlane vm5;
	(v2sf) =	vpush v12, $0xF  }
0x105: {  	[tilespmem:$0x4060] =	vst v0;
	vm1 =	vmmov vm3;
	v14 =	vsub.s32 v16, v18;
	v16 =	vbroadcast v56, $0x0  }
0x106: {  	[tilespmem:$0x4070] =	vst v0;
	s26 =	spop (v2sf);
	vm1 =	vmmov vm1;
	v12 =	vadd.s32 $0xF, v13;
	v13 =	vmpcnt.ones.xlane vm0  }
0x107: {  	[tilespmem:$0x4080] =	vst v0;
	s13 =	sxor.u32 $0x80000000, s26;
	vm1 =	vmmov vm1;
	v16 =	vsub.s32 v16, v60;
	vm0 =	vmmov vm5  }
0x108: {  	[tilespmem:$0x4090] =	vst v0;
	vm0 =	vmmov vm0;
	vm2 =	vgt.s32 v13, $0x0;
	v13 =	vmov s13  }
0x109: {  	[tilespmem:$0x40A0] =	vst v0;
	v12 =	vbroadcast v12, $0x0;
	vm0 =	vmmov vm0;
	vm13 =	vgt.s32 v13, v7  }
0x10a: {  	[tilespmem:$0x40B0] =	vst v0;
	s28 =	spop (v2sf);
	v13 =	vmctz.xlane vm3;
	vm4 =	vmand vm4, vm2;
	vm3 =	vgt.s32 v62, $0x0  }
0x10b: {  	[tilespmem:$0x40C0] =	vst v0;
	v6 =	vsel vm2, $0x1, v6;
	v7 =	vsel vm13, s13, v7;
	v9 =	vsel vm4, v9, v10;
	s13 =	sxor.u32 $0x80000000, s28  }
0x10c: {  	[tilespmem:$0x40D0] =	vst v0;
	vm2 =	veq.s32 v6, $0x0;
	v6 =	vsel vm3, $0x1, v6;
	v10 =	vmov s13  }
0x10d: {  	[tilespmem:$0x40E0] =	vst v0;
	v7 =	vsel vm4, v7, v8;
	vm14 =	vgt.s32 v10, v11;
	v10 =	vmpcnt.ones.xlane vm0  }
0x10e: {  	[tilespmem:$0x40F0] =	vst v0;
	s30 =	simm.s32 $0x40;
	v8 =	vsub.s32 v12, v13;
	v12 =	vmpcnt.ones.xlane vm1;
	vm1 =	veq.s32 v6, $0x0  }
0x10f: {  	v13 =	vld [tilespmem:s30+$0xFFFFFFC0];
	vm0 =	vmand vm2, vm3;
	v11 =	vsel vm14, s13, v11;
	vm2 =	vgt.s32 v10, $0x0;
	s29 =	spop (v2sf)  }
0x110: {  	v9 =	vsel vm0, v14, v9;
	v6 =	vsel vm2, $0x1, v6;
	vm1 =	vmand vm1, vm2;
	s13 =	sxor.u32 $0x80000000, s29  }
0x111: {  	vm2 =	vgt.s32 v12, $0x0;
	vm15 =	veq.s32 v6, $0x0;
	v10 =	vmov s13  }
0x112: {  	v9 =	vsel vm1, v16, v9;
	vm2 =	vmand vm15, vm2;
	vm3 =	vgt.s32 v10, v15;
	v10 =	vld [tilespmem:s30+$0xFFFFFFE0]  }
0x113: {  	v5 =	vshll.u32 v5, $0x8;
	v8 =	vsel vm2, v8, v9;
	s31 =	spop (v2sf)  }
0x114: {  	v6 =	vsel vm3, s13, v15;
	v5 =	vadd.s32 v5, v8;
	v8 =	vshrl.u32 v13, $0x10;
	s13 =	sxor.u32 $0x80000000, s31  }
0x115: {  	v14 =	vld [tilespmem:s30+$0x20];
	v7 =	vsel vm0, v11, v7;
	vm3 =	veq.s32 v8, v5;
	v11 =	vmov s13  }
0x116: {  	v9 =	vld [tilespmem:s30+$0xFFFFFFF0];
	v6 =	vsel vm1, v6, v7;
	vm0 =	vgt.s32 v11, v20;
	v11 =	vshrl.u32 v13, $0x8  }
0x117: {  	v7 =	vsel vm0, s13, v20;
	v13 =	vand.u32 $0xFF, v11;
	v11 =	vshrl.u32 v10, $0x10  }
0x118: {  	v15 =	vld [tilespmem:s30+$0x30];
	v10 =	vshrl.u32 v10, $0x8;
	v6 =	vsel vm2, v7, v6;
	vm2 =	veq.s32 v11, v5  }
0x119: {  	v7 =	vld [tilespmem:s30+$0xFFFFFFD0];
	v10 =	vand.u32 $0xFF, v10;
	_ =	sdelay $0x1  }
0x11a: {  	v63 =	vshrl.u32 v14, $0x10;
	v8 =	vshrl.u32 v9, $0x8;
	v9 =	vshrl.u32 v9, $0x10;
	v11 =	vld [tilespmem:s30+$0x10]  }
0x11b: {  	v12 =	vld [tilespmem:s30+$0x0];
	vm1 =	veq.s32 v63, v5;
	vm0 =	veq.s32 v9, v5;
	v9 =	vshrl.u32 v14, $0x8  }
0x11c: {  	s14 =	simm.s32 $0xC0;
	s13 =	simm.s32 $0x0;
	v14 =	vshrl.u32 v15, $0x10;
	v9 =	vand.u32 $0xFF, v9;
	[tilespmem:v13+s9+$0x0] =	vst.idx.add.s32.msk vm3, v1;
	v13 =	vshrl.u32 v15, $0x8  }
.LBB2_10:
0x11d: {  	s13 =	sadd.s32 $0x8, s13;
	v15 =	vshrl.u32 v7, $0x10;
	[tilespmem:v10+s9+$0x0] =	vst.idx.add.s32.msk vm2, v1;
	vm3 =	veq.s32 v14, v5  }
0x11e: {  	v7 =	vshrl.u32 v7, $0x8;
	v10 =	vand.u32 $0xFF, v8;
	v14 =	vld [tilespmem:s14+$0xFFFFFFF0];
	p0 =	slt.u32 s13, $0x1F8;
	vm4 =	veq.s32 v15, v5  }
0x11f: {  	v13 =	vand.u32 $0xFF, v13;
	v16 =	vand.u32 $0xFF, v7;
	v15 =	vld [tilespmem:s14+$0xFFFFFFE0];
	v7 =	vshrl.u32 v11, $0x10  }
0x120: {  	v11 =	vshrl.u32 v11, $0x8;
	v17 =	vld [tilespmem:s14+$0xFFFFFFC0];
	v8 =	vshrl.u32 v12, $0x10;
	vm5 =	veq.s32 v7, v5  }
0x121: {  	v7 =	vshrl.u32 v12, $0x8;
	v11 =	vand.u32 $0xFF, v11;
	v18 =	vld [tilespmem:s14+$0x30];
	vm6 =	veq.s32 v8, v5  }
0x122: {  	v12 =	vand.u32 $0xFF, v7;
	v19 =	vld [tilespmem:s14+$0x20]  }
0x123: {  	v7 =	vld [tilespmem:s14+$0xFFFFFFD0];
	v8 =	vshrl.u32 v14, $0x8  }
0x124: {  	[tilespmem:v10+s9+$0x0] =	vst.idx.add.s32.msk vm0, v1  }
0x125: {  	v20 =	vshrl.u32 v15, $0x8;
	v15 =	vshrl.u32 v15, $0x10;
	v10 =	vshrl.u32 v17, $0x10;
	[tilespmem:v9+s9+$0x0] =	vst.idx.add.s32.msk vm1, v1  }
0x126: {  	v9 =	vshrl.u32 v17, $0x8;
	vm2 =	veq.s32 v15, v5;
	vm7 =	veq.s32 v10, v5;
	[tilespmem:v11+s9+$0x0] =	vst.idx.add.s32.msk vm5, v1  }
0x127: {  	v9 =	vand.u32 $0xFF, v9;
	v10 =	vand.u32 $0xFF, v20;
	[tilespmem:v12+s9+$0x0] =	vst.idx.add.s32.msk vm6, v1  }
.Ltmp4:
0x128: {  	v11 =	vshrl.u32 v14, $0x10;
	[tilespmem:v13+s9+$0x0] =	vst.idx.add.s32.msk vm3, v1;
	(pc) =	sbr.rel @p0 .LBB2_10-.Ltmp4, $4  }
0x129: {  	vm0 =	veq.s32 v11, v5;
	[tilespmem:v16+s9+$0x0] =	vst.idx.add.s32.msk vm4, v1  }
0x12a: {  	v13 =	vshrl.u32 v19, $0x10;
	v11 =	vld [tilespmem:s14+$0x10]  }
0x12b: {  	v14 =	vshrl.u32 v19, $0x8;
	vm1 =	veq.s32 v13, v5;
	v12 =	vld [tilespmem:s14+$0x0]  }
0x12c: {  	v13 =	vshrl.u32 v18, $0x8;
	s14 =	sadd.s32 $0x80, s14;
	[tilespmem:v9+s9+$0x0] =	vst.idx.add.s32.msk vm7, v1;
	v9 =	vand.u32 $0xFF, v14;
	v14 =	vshrl.u32 v18, $0x10  }
0x12d: {  	_ =	sdelay $0x3  }
0x12e: {  	v8 =	vand.u32 $0xFF, v8;
	vm5 =	veq.s32 v14, v5  }
0x12f: {  	[tilespmem:v10+s9+$0x0] =	vst.idx.add.s32.msk vm2, v1;
	v10 =	vand.u32 $0xFF, v13;
	v15 =	vshrl.u32 v11, $0x10;
	v11 =	vshrl.u32 v11, $0x8  }
0x130: {  	v16 =	vshrl.u32 v12, $0x10;
	vm3 =	veq.s32 v15, v5;
	v12 =	vshrl.u32 v12, $0x8  }
0x131: {  	v11 =	vand.u32 $0xFF, v11;
	v15 =	vshrl.u32 v7, $0x10;
	vm4 =	veq.s32 v16, v5  }
0x132: {  	v7 =	vshrl.u32 v7, $0x8;
	v12 =	vand.u32 $0xFF, v12;
	vm2 =	veq.s32 v15, v5  }
0x133: {  	[tilespmem:v9+s9+$0x0] =	vst.idx.add.s32.msk vm1, v1;
	v7 =	vand.u32 $0xFF, v7  }
0x134: {  	[tilespmem:v8+s9+$0x0] =	vst.idx.add.s32.msk vm0, v1  }
0x135: {  	[tilespmem:v10+s9+$0x0] =	vst.idx.add.s32.msk vm5, v1  }
0x136: {  	[tilespmem:v11+s9+$0x0] =	vst.idx.add.s32.msk vm3, v1  }
0x137: {  	[tilespmem:v12+s9+$0x0] =	vst.idx.add.s32.msk vm4, v1  }
0x138: {  	s13 =	simm.s32 $0x40F0;
	[tilespmem:v7+s9+$0x0] =	vst.idx.add.s32.msk vm2, v1  }
0x139: {  	v8 =	vld [tilespmem:s13+$0x0];
	_ =	sdelay $0x4  }
0x13a: {  	v7 =	vperm.xlane v8, v2;
	_ =	sdelay $0x1  }
0x13b: {  	(xrf0) =	vadd.scan.msk.s32 $0xffff, v7  }
0x13c: {  	s23 =	simm.s32 $0x40E0  }
0x13d: {  	v9 =	vld [tilespmem:s23+$0x0];
	_ =	sdelay $0x3  }
0x13e: {  	v7 =	vimm.s32 $0x0;
	v10, _, _ =	vpop (xrf0);
	(xrf0) =	vadd.scan.msk.s32 $0xffff, v8  }
0x13f: {  	v4 =	vsub.s32 v4, v6;
	v6 =	vperm.xlane v9, v2;
	v8 =	vadd.s32 v7, v10  }
0x140: {  	vm0 =	vge.s32 v8, v4;
	v8 =	vxor.u32 $0x80000000, v8  }
0x141: {  	(xrf0) =	vadd.scan.msk.s32 $0xffff, v6;
	v6 =	vsel vm0, $0x80000000, v8  }
0x142: {  	s24 =	simm.s32 $0x40D0  }
0x143: {  	v10 =	vld [tilespmem:s24+$0x0]  }
0x144: {  	(xrf0) =	vmax.scan.msk.u32 $0xffff, v6;
	v6, _, _ =	vpop (xrf0)  }
0x145: {  	v6 =	vbroadcast v6, $0xF;
	_ =	sdelay $0x1  }
0x146: {  	(xrf0) =	vadd.scan.msk.s32 $0xffff, v9;
	v9, _, _ =	vpop (xrf0);
	v8 =	vadd.s32 v7, v6  }
0x147: {  	v11 =	vperm.xlane v10, v2;
	v9 =	vadd.s32 v8, v9  }
0x148: {  	s25 =	simm.s32 $0x40C0;
	vm1 =	vge.s32 v9, v4;
	v9 =	vxor.u32 $0x80000000, v9  }
0x149: {  	v13 =	vld [tilespmem:s25+$0x0];
	(xrf0) =	vadd.scan.msk.s32 $0xffff, v11;
	v9 =	vsel vm1, $0x80000000, v9  }
0x14a: {  	s14 =	simm.s32 $0xF0;
	v6, _, _ =	vpop (xrf0)  }
0x14b: {  	v11 =	vmctz.xlane vm0;
	(v2sf) =	vpush v6, $0xF;
	v6 =	vmov s14  }
0x14c: {  	v6 =	vadd.s32 $0xF, v6;
	(xrf0) =	vmax.scan.msk.u32 $0xffff, v9;
	v9, _, _ =	vpop (xrf0)  }
0x14d: {  	s26 =	simm.s32 $0xE0;
	v6 =	vbroadcast v6, $0x0;
	v9 =	vbroadcast v9, $0xF  }
0x14e: {  	v12 =	vperm.xlane v13, v2;
	(xrf0) =	vadd.scan.msk.s32 $0xffff, v10;
	v10 =	vmov s26  }
0x14f: {  	v14 =	vsub.s32 v6, v11;
	v10 =	vadd.s32 $0xF, v10;
	v11, _, _ =	vpop (xrf0);
	v6 =	vadd.s32 v8, v9  }
0x150: {  	v9 =	vbroadcast v10, $0x0;
	v10 =	vmctz.xlane vm1;
	v11 =	vadd.s32 v6, v11  }
0x151: {  	(xrf0) =	vadd.scan.msk.s32 $0xffff, v12;
	vm2 =	vge.s32 v11, v4;
	v11 =	vxor.u32 $0x80000000, v11  }
0x152: {  	s28 =	simm.s32 $0xD0;
	v16 =	vsel vm2, $0x80000000, v11  }
0x153: {  	v12 =	vmov s28;
	v15, _, _ =	vpop (xrf0);
	(xrf0) =	vmax.scan.msk.u32 $0xffff, v16;
	v16 =	vmctz.xlane vm2  }
0x154: {  	v12 =	vadd.s32 $0xF, v12;
	v11 =	vsub.s32 v9, v10;
	v10, _, _ =	vpop (xrf0)  }
0x155: {  	v9 =	vbroadcast v12, $0x0;
	v10 =	vbroadcast v10, $0xF  }
0x156: {  	s29 =	simm.s32 $0x40B0;
	(v2sf) =	vpush v15, $0xF  }
0x157: {  	v12 =	vld [tilespmem:s29+$0x0];
	v9 =	vsub.s32 v9, v16;
	v15 =	vadd.s32 v6, v10;
	v16, _, _ =	vpop (xrf0)  }
0x158: {  	s30 =	simm.s32 $0xC0;
	(xrf0) =	vadd.scan.msk.s32 $0xffff, v13;
	v13 =	vadd.s32 v15, v16  }
0x159: {  	v17 =	vmov s30;
	vm0 =	vmmov vm0;
	vm1 =	vmmov vm1  }
0x15a: {  	vm0 =	vmmov vm0;
	vm3 =	vmmov vm1;
	v10 =	vadd.s32 $0xF, v17  }
0x15b: {  	v17 =	vbroadcast v10, $0x0;
	vm1 =	vge.s32 v13, v4;
	v10 =	vxor.u32 $0x80000000, v13;
	v13, _, _ =	vpop (xrf0)  }
0x15c: {  	vm0 =	vmmov vm0;
	v18 =	vperm.xlane v12, v2;
	s31 =	spop (v2sf);
	(v2sf) =	vpush v13, $0xF  }
0x15d: {  	v16 =	vmpcnt.ones.xlane vm0  }
0x15e: {  	vm4 =	veq.s32 v7, $0x0;
	s13 =	sxor.u32 $0x80000000, s31;
	(xrf0) =	vadd.scan.msk.s32 $0xffff, v18  }
0x15f: {  	s15 =	simm.s32 $0x40A0;
	vm0 =	vgt.s32 v16, $0x0;
	v16 =	vmov s13;
	v10 =	vsel vm1, $0x80000000, v10  }
0x160: {  	vm2 =	vmmov vm2;
	vm5 =	vgt.s32 v16, v7;
	vm4 =	vmand vm4, vm0;
	v16 =	vld [tilespmem:s15+$0x0]  }
0x161: {  	v18 =	vmctz.xlane vm1;
	v19 =	vsel vm5, s13, v7;
	v13 =	vsel vm4, v14, v7;
	v20, _, _ =	vpop (xrf0);
	(xrf0) =	vmax.scan.msk.u32 $0xffff, v10  }
0x162: {  	s16 =	simm.s32 $0x90;
	s14 =	simm.s32 $0xB0;
	s13 =	simm.s32 $0xA0;
	v14 =	vsel vm4, v19, v7;
	vm4 =	vmmov vm3;
	v10 =	vmovc v15;
	v19 =	vbroadcast v20, $0xF  }
.LBB2_12:
0x163: {  	p0 =	sne.s32 s16, $0x0;
	v20 =	vmov s14;
	v21 =	vsub.s32 v17, v18;
	vm3 =	vmmov vm2;
	s14 =	smov.u32 s13;
	s13 =	smov.u32 s16  }
0x164: {  	vm2 =	vmmov vm1;
	v17 =	vadd.s32 $0xF, v20;
	v18, _, _ =	vpop (xrf0);
	(xrf0) =	vadd.scan.msk.s32 $0xffff, v12;
	v15 =	vadd.s32 v15, v19  }
0x165: {  	v20 =	vmpcnt.ones.xlane vm4;
	v19 =	vperm.xlane v16, v2;
	v18 =	vadd.s32 v15, v18;
	s17 =	spop (v2sf);
	v12 =	vmovc v16  }
0x166: {  	v17 =	vbroadcast v17, $0x0;
	vm1 =	vge.s32 v18, v4;
	v18 =	vxor.u32 $0x80000000, v18;
	s17 =	sxor.u32 $0x80000000, s17  }
.Ltmp5:
0x167: {  	v7 =	vsel vm0, $0x1, v7;
	vm0 =	vgt.s32 v20, $0x0;
	(xrf0) =	vadd.scan.msk.s32 $0xffff, v19;
	v16, _, _ =	vpop (xrf0);
	v19 =	vmov s17;
	(pc) =	sbr.rel @p0 .LBB2_12-.Ltmp5, $4  }
0x168: {  	s15 =	sadd.s32 $0xFFFFFFF0, s15;
	vm4 =	veq.s32 v7, $0x0;
	(v2sf) =	vpush v16, $0xF;
	vm5 =	vgt.s32 v19, v8  }
0x169: {  	vm4 =	vmand vm4, vm0;
	v19 =	vsel vm1, $0x80000000, v18;
	v16 =	vld [tilespmem:s15+$0x0];
	v20 =	vsel vm5, s17, v8;
	v8 =	vmovc v6;
	v6 =	vmovc v10  }
0x16a: {  	v18 =	vmctz.xlane vm1;
	v13 =	vsel vm4, v11, v13;
	(xrf0) =	vmax.scan.msk.u32 $0xffff, v19;
	v10, _, _ =	vpop (xrf0);
	v14 =	vsel vm4, v20, v14  }
0x16b: {  	s16 =	sadd.s32 $0xFFFFFFF0, s16;
	v11 =	vmovc v9;
	v9 =	vmovc v21;
	vm4 =	vmmov vm3;
	v19 =	vbroadcast v10, $0xF;
	v10 =	vmov v15  }
0x16c: {  	_ = 	snop  }
0x16d: {  	(xrf0) =	vadd.scan.msk.s32 $0xffff, v12  }
0x16e: {  	v35 =	vperm.xlane v16, v2;
	_ =	sdelay $0x1  }
0x16f: {  	(xrf0) =	vadd.scan.msk.s32 $0xffff, v35  }
0x170: {  	v20, _, _ =	vpop (xrf0);
	v36 =	vadd.s32 v15, v19  }
0x171: {  	v38 =	vadd.s32 v36, v20;
	v37, _, _ =	vpop (xrf0)  }
0x172: {  	v17 =	vsub.s32 v17, v18;
	vm3 =	vge.s32 v38, v4;
	v18 =	vxor.u32 $0x80000000, v38;
	v39, _, _ =	vpop (xrf0)  }
0x173: {  	v41 =	vsel vm3, $0x80000000, v18;
	v19 =	vbroadcast v39, $0xF  }
0x174: {  	v40 =	vmov s14;
	vm5 =	vmmov vm2;
	v42 =	vmpcnt.ones.xlane vm4;
	(xrf0) =	vmax.scan.msk.u32 $0xffff, v41  }
0x175: {  	vm4 =	vmmov vm1;
	[tilespmem:$0x4000] =	vst v0;
	(v2sf) =	vpush v37, $0xF;
	v19 =	vadd.s32 v36, v19;
	v43, _, _ =	vpop (xrf0)  }
0x176: {  	s26 =	spop (v2sf);
	v7 =	vsel vm0, $0x1, v7;
	[tilespmem:$0x4010] =	vst v0;
	v48 =	vmov s13;
	v15 =	vadd.s32 v19, v43  }
0x177: {  	[tilespmem:$0x4020] =	vst v0;
	s14 =	sxor.u32 $0x80000000, s26;
	vm0 =	veq.s32 v7, $0x0;
	vm1 =	vge.s32 v15, v4;
	v15 =	vxor.u32 $0x80000000, v15  }
0x178: {  	v20 =	vadd.s32 $0xF, v40;
	v44 =	vmov s14;
	(xrf0) =	vadd.scan.msk.s32 $0xffff, v16;
	v15 =	vsel vm1, $0x80000000, v15  }
0x179: {  	vm2 =	vgt.s32 v42, $0x0;
	v45 =	vbroadcast v20, $0x0;
	vm6 =	vgt.s32 v44, v8;
	(xrf0) =	vmax.scan.msk.u32 $0xffff, v15  }
0x17a: {  	[tilespmem:$0x4030] =	vst v0;
	vm0 =	vmand vm0, vm2;
	v7 =	vsel vm2, $0x1, v7;
	v8 =	vsel vm6, s14, v8;
	v47, _, _ =	vpop (xrf0)  }
0x17b: {  	[tilespmem:$0x4040] =	vst v0;
	v46 =	vmctz.xlane vm3;
	v11 =	vsel vm0, v11, v13;
	(v2sf) =	vpush v47, $0xF  }
0x17c: {  	[tilespmem:$0x4050] =	vst v0;
	v13 =	vadd.s32 $0xF, v48;
	v8 =	vsel vm0, v8, v14;
	vm0 =	vmmov vm5  }
0x17d: {  	[tilespmem:$0x4060] =	vst v0;
	vm3 =	vmmov vm3;
	v50 =	vmpcnt.ones.xlane vm0;
	vm0 =	vmmov vm4  }
0x17e: {  	[tilespmem:$0x4070] =	vst v0;
	vm2 =	veq.s32 v7, $0x0;
	v13 =	vbroadcast v13, $0x0;
	vm0 =	vmmov vm0;
	v51, _, _ =	vpop (xrf0)  }
0x17f: {  	[tilespmem:$0x4080] =	vst v0;
	v49 =	vsub.s32 v45, v46;
	vm4 =	vgt.s32 v50, $0x0;
	v54 =	vmpcnt.ones.xlane vm0;
	v52, _, _ =	vpop (xrf0)  }
0x180: {  	[tilespmem:$0x4090] =	vst v0;
	vm0 =	vmmov vm3;
	vm2 =	vmand vm2, vm4;
	s28 =	spop (v2sf);
	(v2sf) =	vpush v52, $0xF  }
0x181: {  	[tilespmem:$0x40A0] =	vst v0;
	v7 =	vsel vm4, $0x1, v7;
	vm0 =	vmmov vm0;
	v9 =	vsel vm2, v9, v11;
	s13 =	sxor.u32 $0x80000000, s28  }
0x182: {  	[tilespmem:$0x40B0] =	vst v0;
	v16 =	vmov s13;
	v53 =	vmctz.xlane vm1;
	vm1 =	vmmov vm1  }
0x183: {  	[tilespmem:$0x40C0] =	vst v0;
	v55 =	vmpcnt.ones.xlane vm0;
	vm5 =	vgt.s32 v16, v6;
	vm1 =	vmmov vm1  }
0x184: {  	[tilespmem:$0x40D0] =	vst v0;
	vm3 =	veq.s32 v7, $0x0;
	v6 =	vsel vm5, s13, v6;
	vm0 =	vmmov vm1;
	s29 =	spop (v2sf)  }
0x185: {  	[tilespmem:$0x40E0] =	vst v0;
	vm1 =	vgt.s32 v55, $0x0;
	v6 =	vsel vm2, v6, v8;
	vm2 =	vgt.s32 v54, $0x0;
	s13 =	sxor.u32 $0x80000000, s29  }
0x186: {  	[tilespmem:$0x40F0] =	vst v0;
	s30 =	simm.s32 $0x40;
	v8 =	vsub.s32 v13, v53;
	vm3 =	vmand vm3, vm2;
	v11 =	vmov s13  }
0x187: {  	v56 =	vld [tilespmem:s30+$0x30];
	v7 =	vsel vm2, $0x1, v7;
	vm4 =	vgt.s32 v11, v10;
	v11 =	vmpcnt.ones.xlane vm0  }
0x188: {  	v57 =	vld [tilespmem:s30+$0xFFFFFFD0];
	v9 =	vsel vm3, v17, v9;
	vm0 =	veq.s32 v7, $0x0;
	v7 =	vsel vm1, $0x1, v7  }
0x189: {  	vm0 =	vmand vm0, vm1;
	vm2 =	veq.s32 v7, $0x0;
	v7 =	vld [tilespmem:s30+$0xFFFFFFE0];
	vm1 =	vgt.s32 v11, $0x0  }
0x18a: {  	v10 =	vsel vm4, s13, v10;
	v9 =	vsel vm0, v49, v9;
	v11 =	vld [tilespmem:s30+$0xFFFFFFF0];
	vm1 =	vmand vm2, vm1;
	s31 =	spop (v2sf)  }
0x18b: {  	v5 =	vshll.u32 v5, $0x8;
	v60 =	vld [tilespmem:s30+$0xFFFFFFC0];
	v6 =	vsel vm3, v10, v6;
	v8 =	vsel vm1, v8, v9;
	s13 =	sxor.u32 $0x80000000, s31  }
0x18c: {  	v5 =	vadd.s32 v5, v8;
	v8 =	vshrl.u32 v56, $0x8;
	v9 =	vmov s13  }
0x18d: {  	v10 =	vshrl.u32 v57, $0x8;
	vm3 =	veq.s32 v8, v5;
	vm2 =	vgt.s32 v9, v36;
	v9 =	vld [tilespmem:s30+$0x0]  }
0x18e: {  	v13 =	vand.u32 $0xFF, v56;
	vm4 =	veq.s32 v10, v5;
	v10 =	vshrl.u32 v7, $0x8  }
0x18f: {  	v58 =	vand.u32 $0xFF, v57;
	v8 =	vld [tilespmem:s30+$0x10];
	vm5 =	veq.s32 v10, v5;
	v10 =	vshrl.u32 v11, $0x8;
	s15 =	spop (v2sf)  }
0x190: {  	v59 =	vld [tilespmem:s30+$0x20];
	v63 =	vshrl.u32 v60, $0x8;
	v62 =	vand.u32 $0xFF, v7;
	vm15 =	veq.s32 v10, v5;
	s15 =	sxor.u32 $0x80000000, s15  }
0x191: {  	v11 =	vand.u32 $0xFF, v11;
	v7 =	vsel vm2, s13, v36;
	v61 =	vmov s15  }
0x192: {  	v6 =	vsel vm0, v7, v6;
	v10 =	vshrl.u32 v9, $0x8;
	vm2 =	vgt.s32 v61, v19  }
0x193: {  	[tilespmem:v13+s9+$0x0] =	vst.idx.add.s32.msk vm3, v1;
	vm3 =	veq.s32 v63, v5;
	vm0 =	veq.s32 v10, v5;
	v7 =	vsel vm2, s15, v19  }
0x194: {  	[tilespmem:v58+s9+$0x0] =	vst.idx.add.s32.msk vm4, v1;
	v10 =	vshrl.u32 v8, $0x8;
	v8 =	vand.u32 $0xFF, v8;
	v6 =	vsel vm1, v7, v6  }
0x195: {  	[tilespmem:v62+s9+$0x0] =	vst.idx.add.s32.msk vm5, v1;
	v7 =	vand.u32 $0xFF, v9;
	vm1 =	veq.s32 v10, v5;
	v9 =	vshrl.u32 v59, $0x8  }
0x196: {  	s14 =	simm.s32 $0xC0;
	s13 =	simm.s32 $0x0;
	[tilespmem:v11+s9+$0x0] =	vst.idx.add.s32.msk vm15, v1;
	v10 =	vand.u32 $0xFF, v60;
	vm2 =	veq.s32 v9, v5;
	v9 =	vand.u32 $0xFF, v59  }
.LBB2_14:
0x197: {  	v11 =	vld [tilespmem:s14+$0x30];
	s13 =	sadd.s32 $0x8, s13  }
0x198: {  	v12 =	vld [tilespmem:s14+$0xFFFFFFD0];
	p0 =	slt.u32 s13, $0x1F8  }
0x199: {  	v13 =	vld [tilespmem:s14+$0xFFFFFFE0]  }
0x19a: {  	v14 =	vld [tilespmem:s14+$0xFFFFFFF0]  }
0x19b: {  	v15 =	vld [tilespmem:s14+$0x0]  }
0x19c: {  	v16 =	vld [tilespmem:s14+$0x10];
	v17 =	vshrl.u32 v11, $0x8  }
0x19d: {  	v18 =	vshrl.u32 v12, $0x8;
	v12 =	vand.u32 $0xFF, v12;
	v19 =	vld [tilespmem:s14+$0x20];
	vm4 =	veq.s32 v17, v5  }
0x19e: {  	v11 =	vand.u32 $0xFF, v11;
	v17 =	vld [tilespmem:s14+$0xFFFFFFC0];
	vm5 =	veq.s32 v18, v5;
	v18 =	vshrl.u32 v13, $0x8  }
0x19f: {  	v13 =	vand.u32 $0xFF, v13;
	vm6 =	veq.s32 v18, v5;
	v18 =	vshrl.u32 v14, $0x8;
	[tilespmem:v10+s9+$0x0] =	vst.idx.add.s32.msk vm3, v1  }
0x1a0: {  	v14 =	vand.u32 $0xFF, v14;
	vm7 =	veq.s32 v18, v5;
	v10 =	vshrl.u32 v15, $0x8;
	[tilespmem:v7+s9+$0x0] =	vst.idx.add.s32.msk vm0, v1  }
0x1a1: {  	v7 =	vand.u32 $0xFF, v15;
	vm0 =	veq.s32 v10, v5;
	v10 =	vshrl.u32 v16, $0x8;
	[tilespmem:v8+s9+$0x0] =	vst.idx.add.s32.msk vm1, v1  }
.Ltmp6:
0x1a2: {  	v8 =	vand.u32 $0xFF, v16;
	vm1 =	veq.s32 v10, v5;
	v15 =	vshrl.u32 v19, $0x8;
	[tilespmem:v9+s9+$0x0] =	vst.idx.add.s32.msk vm2, v1;
	(pc) =	sbr.rel @p0 .LBB2_14-.Ltmp6, $4  }
0x1a3: {  	v9 =	vshrl.u32 v17, $0x8;
	v10 =	vand.u32 $0xFF, v17;
	vm2 =	veq.s32 v15, v5;
	[tilespmem:v11+s9+$0x0] =	vst.idx.add.s32.msk vm4, v1  }
0x1a4: {  	vm3 =	veq.s32 v9, v5;
	[tilespmem:v12+s9+$0x0] =	vst.idx.add.s32.msk vm5, v1;
	v9 =	vand.u32 $0xFF, v19  }
0x1a5: {  	[tilespmem:v13+s9+$0x0] =	vst.idx.add.s32.msk vm6, v1  }
0x1a6: {  	s14 =	sadd.s32 $0x80, s14;
	[tilespmem:v14+s9+$0x0] =	vst.idx.add.s32.msk vm7, v1  }
0x1a7: {  	_ =	sdelay $0x4  }
0x1a8: {  	[tilespmem:v10+s9+$0x0] =	vst.idx.add.s32.msk vm3, v1  }
0x1a9: {  	[tilespmem:v7+s9+$0x0] =	vst.idx.add.s32.msk vm0, v1  }
0x1aa: {  	[tilespmem:v8+s9+$0x0] =	vst.idx.add.s32.msk vm1, v1  }
0x1ab: {  	[tilespmem:v9+s9+$0x0] =	vst.idx.add.s32.msk vm2, v1;
	s13 =	simm.s32 $0x40F0  }
0x1ac: {  	v7 =	vld [tilespmem:s13+$0x0];
	_ =	sdelay $0x2  }
0x1ad: {  	s28 =	simm.s32 $0x40E0  }
0x1ae: {  	v9 =	vld [tilespmem:s28+$0x0]  }
0x1af: {  	v8 =	vperm.xlane v7, v2;
	_ =	sdelay $0x1  }
0x1b0: {  	(xrf0) =	vadd.scan.msk.s32 $0xffff, v8;
	_ =	sdelay $0x1  }
0x1b1: {  	v8 =	vperm.xlane v9, v2;
	_ =	sdelay $0x1  }
0x1b2: {  	s29 =	simm.s32 $0x40D0;
	(xrf0) =	vadd.scan.msk.s32 $0xffff, v7  }
0x1b3: {  	v12 =	vld [tilespmem:s29+$0x0]  }
0x1b4: {  	v7 =	vimm.s32 $0x0;
	(xrf0) =	vadd.scan.msk.s32 $0xffff, v8;
	v8, _, _ =	vpop (xrf0)  }
0x1b5: {  	s14 =	simm.s32 $0xF0;
	v4 =	vsub.s32 v4, v6;
	v8 =	vadd.s32 v7, v8  }
0x1b6: {  	v6 =	vmov s14;
	vm0 =	vge.s32 v8, v4  }
0x1b7: {  	v6 =	vadd.s32 $0xF, v6;
	(xrf0) =	vadd.scan.msk.s32 $0xffff, v9;
	v9 =	vmpcnt.ones.xlane vm0  }
0x1b8: {  	s30 =	simm.s32 $0x40C0;
	v13 =	vperm.xlane v12, v2;
	v10, _, _ =	vpop (xrf0);
	v8 =	vbroadcast v6, $0x0  }
0x1b9: {  	s31 =	simm.s32 $0xE0;
	v6 =	vld [tilespmem:s30+$0x0];
	v10 =	vbroadcast v10, $0xF;
	v11 =	vmctz.xlane vm0  }
0x1ba: {  	v14 =	vmov s31  }
0x1bb: {  	(xrf0) =	vadd.scan.msk.s32 $0xffff, v13;
	vm0 =	vgt.s32 v9, $0x0;
	v11 =	vsub.s32 v8, v11;
	v8 =	vadd.s32 v7, v10;
	v9, _, _ =	vpop (xrf0)  }
0x1bc: {  	vm1 =	veq.s32 v7, $0x0;
	v10 =	vadd.s32 $0xF, v14;
	v9 =	vadd.s32 v8, v9  }
0x1bd: {  	s15 =	simm.s32 $0xB0;
	vm2 =	vmand vm1, vm0;
	v10 =	vbroadcast v10, $0x0;
	vm1 =	vge.s32 v9, v4  }
0x1be: {  	s16 =	simm.s32 $0x40B0;
	s14 =	simm.s32 $0xD0;
	s13 =	simm.s32 $0xC0;
	(xrf0) =	vadd.scan.msk.s32 $0xffff, v12;
	v13, _, _ =	vpop (xrf0);
	v9 =	vsel vm2, v11, v7;
	v11 =	vperm.xlane v6, v2;
	v12 =	vmpcnt.ones.xlane vm1  }
.LBB2_16:
0x1bf: {  	v14 =	vld [tilespmem:s16+$0x0];
	v15 =	vmctz.xlane vm1;
	v13 =	vbroadcast v13, $0xF;
	v7 =	vsel vm0, $0x1, v7;
	s17 =	smov.u32 s15;
	p0 =	sne.s32 s15, $0x0  }
.Ltmp7:
0x1c0: {  	s15 =	sadd.s32 $0xFFFFFFF0, s15;
	v16 =	vmov s14;
	vm0 =	vgt.s32 v12, $0x0;
	vm1 =	veq.s32 v7, $0x0;
	(pc) =	sbr.rel @p0 .LBB2_16-.Ltmp7, $4  }
0x1c1: {  	s14 =	smov.u32 s13;
	s13 =	smov.u32 s17;
	(xrf0) =	vadd.scan.msk.s32 $0xffff, v11;
	v11, _, _ =	vpop (xrf0);
	v10 =	vsub.s32 v10, v15;
	vm1 =	vmand vm1, vm0;
	v8 =	vadd.s32 v8, v13  }
0x1c2: {  	v12 =	vadd.s32 $0xF, v16;
	v11 =	vadd.s32 v8, v11;
	v9 =	vsel vm1, v10, v9  }
0x1c3: {  	v10 =	vbroadcast v12, $0x0;
	vm1 =	vge.s32 v11, v4  }
0x1c4: {  	s16 =	sadd.s32 $0xFFFFFFF0, s16;
	v11 =	vperm.xlane v14, v2;
	(xrf0) =	vadd.scan.msk.s32 $0xffff, v6;
	v12 =	vmpcnt.ones.xlane vm1;
	v13, _, _ =	vpop (xrf0);
	v6 =	vmov v14  }
0x1c5: {  	_ = 	snop  }
0x1c6: {  	(xrf0) =	vadd.scan.msk.s32 $0xffff, v11;
	v11 =	vmctz.xlane vm1;
	_ =	sdelay $0x1  }
0x1c7: {  	v13 =	vbroadcast v13, $0xF;
	v7 =	vsel vm0, $0x1, v7  }
0x1c8: {  	v14 =	vmov s14;
	vm0 =	vgt.s32 v12, $0x0;
	vm1 =	veq.s32 v7, $0x0;
	v59, _, _ =	vpop (xrf0)  }
0x1c9: {  	v60 =	vadd.s32 $0xF, v14;
	v8 =	vadd.s32 v8, v13;
	v10 =	vsub.s32 v10, v11;
	v11, _, _ =	vpop (xrf0)  }
0x1ca: {  	vm1 =	vmand vm1, vm0;
	v12 =	vadd.s32 v8, v59;
	v11 =	vbroadcast v11, $0xF  }
0x1cb: {  	v7 =	vsel vm0, $0x1, v7;
	v9 =	vsel vm1, v10, v9;
	vm1 =	vge.s32 v12, v4  }
0x1cc: {  	v10 =	vbroadcast v60, $0x0;
	v12 =	vmpcnt.ones.xlane vm1;
	v62, _, _ =	vpop (xrf0);
	v8 =	vadd.s32 v8, v11  }
0x1cd: {  	v61 =	vmctz.xlane vm1;
	vm1 =	veq.s32 v7, $0x0;
	v8 =	vadd.s32 v8, v62  }
0x1ce: {  	vm0 =	vgt.s32 v12, $0x0;
	v11 =	vmov s13;
	vm2 =	vge.s32 v8, v4  }
0x1cf: {  	s15 =	simm.s32 $0x40;
	v4 =	vsub.s32 v10, v61;
	v8 =	vadd.s32 $0xF, v11;
	v10 =	vmpcnt.ones.xlane vm2  }
0x1d0: {  	v63 =	vld [tilespmem:s15+$0x30];
	(xrf0) =	vadd.scan.msk.s32 $0xffff, v6;
	v7 =	vsel vm0, $0x1, v7;
	v8 =	vbroadcast v8, $0x0;
	v11 =	vmctz.xlane vm2  }
0x1d1: {  	vm0 =	vmand vm1, vm0;
	vm2 =	veq.s32 v7, $0x0;
	v7 =	vld [tilespmem:s15+$0xFFFFFFD0];
	vm1 =	vgt.s32 v10, $0x0  }
0x1d2: {  	v4 =	vsel vm0, v4, v9;
	v6 =	vsub.s32 v8, v11;
	v11 =	vld [tilespmem:s15+$0xFFFFFFE0];
	vm0 =	vmand vm2, vm1  }
0x1d3: {  	v5 =	vshll.u32 v5, $0x8;
	v8 =	vld [tilespmem:s15+$0xFFFFFFF0];
	v4 =	vsel vm0, v6, v4  }
0x1d4: {  	v6 =	vld [tilespmem:s15+$0x0];
	v4 =	vadd.s32 v5, v4  }
0x1d5: {  	v5 =	vld [tilespmem:s15+$0x10];
	vm0 =	vlt.u32 v63, v4  }
0x1d6: {  	s13 =	simm.s32 $0x2040;
	v9, _, _ =	vpop (xrf0);
	vm1 =	vlt.u32 v7, v4;
	v7 =	vld [tilespmem:s15+$0x20];
	v12 =	vsel vm0, $0x0, v3  }
0x1d7: {  	s14 =	simm.s32 $0x0;
	v9 =	vld [tilespmem:s15+$0xFFFFFFC0];
	s15 =	simm.s32 $0xC0;
	v10 =	vsel vm1, $0x0, v3;
	vm0 =	vlt.u32 v11, v4;
	[tilespmem:s13+$0x30] =	vst v12  }
.LBB2_18:
0x1d8: {  	v11 =	vld [tilespmem:s15+$0x30];
	s14 =	sadd.s32 $0x8, s14;
	[tilespmem:s13+$0xFFFFFFD0] =	vst v10;
	v10 =	vsel vm0, $0x0, v3;
	vm0 =	vlt.u32 v8, v4  }
0x1d9: {  	v12 =	vld [tilespmem:s15+$0xFFFFFFD0];
	p0 =	slt.u32 s14, $0x1F8;
	[tilespmem:s13+$0xFFFFFFE0] =	vst v10;
	v8 =	vsel vm0, $0x0, v3;
	vm0 =	vlt.u32 v6, v4  }
0x1da: {  	v13 =	vld [tilespmem:s15+$0xFFFFFFE0];
	[tilespmem:s13+$0xFFFFFFF0] =	vst v8;
	v6 =	vsel vm0, $0x0, v3;
	vm0 =	vlt.u32 v5, v4  }
.Ltmp8:
0x1db: {  	v8 =	vld [tilespmem:s15+$0xFFFFFFF0];
	[tilespmem:s13+$0x0] =	vst v6;
	v5 =	vsel vm0, $0x0, v3;
	vm0 =	vlt.u32 v7, v4;
	(pc) =	sbr.rel @p0 .LBB2_18-.Ltmp8, $4  }
0x1dc: {  	v6 =	vld [tilespmem:s15+$0x0];
	vm1 =	vlt.u32 v9, v4;
	[tilespmem:s13+$0x10] =	vst v5;
	v7 =	vsel vm0, $0x0, v3  }
0x1dd: {  	v5 =	vld [tilespmem:s15+$0x10];
	vm0 =	vlt.u32 v11, v4;
	v9 =	vsel vm1, $0x0, v3;
	[tilespmem:s13+$0x20] =	vst v7  }
0x1de: {  	vm1 =	vlt.u32 v12, v4;
	v7 =	vld [tilespmem:s15+$0x20];
	v11 =	vsel vm0, $0x0, v3;
	[tilespmem:s13+$0xFFFFFFC0] =	vst v9;
	s13 =	sadd.s32 $0x80, s13  }
0x1df: {  	v9 =	vld [tilespmem:s15+$0xFFFFFFC0];
	v10 =	vsel vm1, $0x0, v3;
	vm0 =	vlt.u32 v13, v4;
	[tilespmem:s13+$0x30] =	vst v11;
	s15 =	sadd.s32 $0x80, s15  }
0x1e0: {  	[tilespmem:s13+$0xFFFFFFD0] =	vst v10;
	v63 =	vsel vm0, $0x0, v3;
	vm12 =	vlt.u32 v8, v4  }
0x1e1: {  	[tilespmem:s13+$0xFFFFFFE0] =	vst v63;
	v8 =	vsel vm12, $0x0, v3;
	vm13 =	vlt.u32 v6, v4  }
0x1e2: {  	[tilespmem:s13+$0xFFFFFFF0] =	vst v8;
	v6 =	vsel vm13, $0x0, v3;
	vm14 =	vlt.u32 v5, v4  }
0x1e3: {  	[tilespmem:s13+$0x0] =	vst v6;
	v5 =	vsel vm14, $0x0, v3;
	vm15 =	vlt.u32 v7, v4  }
0x1e4: {  	s12 =	sadd.s32 $0x1, s12;
	vm1 =	vlt.u32 v9, v4;
	[tilespmem:s13+$0x10] =	vst v5;
	v4 =	vsel vm15, $0x0, v3  }
0x1e5: {  	p0 =	sne.s32 s12, s5;
	v5 =	vsel vm1, $0x0, v3;
	[tilespmem:s13+$0x20] =	vst v4  }
.Ltmp9:
0x1e6: {  	[tilespmem:s13+$0xFFFFFFC0] =	vst v5;
	(pc) =	sbr.rel @p0 .LBB2_1-.Ltmp9, $4  }
0x1e7: {  	[hbm4b:s4+s6] =	stream.strided.scatter [tilespmem:s10], [sflag:$0x2], $0x2000, s7, s6, $0x38;
	[tilespmem:$0x4100] =	vst v63  }
0x1e8: {  	_ =	swait.ge [sflag:s11], $0x2000  }
0x1e9: {  	[sflag:s11] =	ssyncset.done $0x0  }
0x1ea: {  	[sflag:s11] =	ssyncadd.s32 $0xFFFFE000  }
0x1eb: {  	_ =	sfence.sel $0x180000  }
0x1ec: {  	[bflag:$0x0] =	sbarrier.arrive $0xFFFF  }
0x1ed: {  	p0 =	sne.s32 s1, $0x0;
	_ =	strace $0x90000047  }
0x1ee: {  	s0 =	sadd.s32 @!p0 $0x100000, s0;
	[bflag:$0x2] =	sbarrier.arrive $0xFFFF  }
0x1ef: {  	[sflag:s0] =	ssyncadd.tile.s32 @!p0 $0x1;
	_ =	shalt  }
.Lfunc_end2:
_tile_overlayer_lowered:
.L_overlay_start_2:
0x1f0: {  	(tag) =	ssettag $0x2  }
0x1f1: {  	s0 =	rddreg [dreg:$0x0];
	s2 =	stileid.u32  }
0x1f2: {  	s1 =	rddreg [dreg:$0x1];
	p0 =	sne.s32 s2, $0x0  }
0x1f3: {  	s3 =	rddreg [dreg:$0x2];
	[bflag:$0x3] =	sbarrier.arrive $0xFFFF;
	s2 =	simm.s32 @!p0 $0x1C03  }
0x1f4: {  	[timem:s3], [sflag:s2] =	dma.local @!p0 [hbm:s0], s1  }
0x1f5: {  	s0 =	simm.s32 @!p0 $0x3  }
0x1f6: {  	_ =	swait.ge @!p0 [sflag:s0], s1  }
0x1f7: {  	s1 =	ssub.s32 @!p0 $0x0, s1;
	[sflag:s0] =	ssyncset.done @!p0 $0x0  }
0x1f8: {  	[sflag:s0] =	ssyncadd.s32 @!p0 s1  }
0x1f9: {  	[bflag:$0x3] =	sbarrier.arrive $0xFFFF  }
0x1fa: {  	_ =	shalt  }

</sc_bundles>
